<compile_context>
chip_gen: v7x
topology: tpu7x:2x2x1
jax: 0.10.2.dev20260603
libtpu: 0.0.44.dev20260713+nightly
codegen_flags: <defaults>
</compile_context>

<pallas_src>
import functools

import numpy as np
import jax
import jax.numpy as jnp
from jax import lax
from jax.experimental import pallas as pl
from jax.experimental.pallas import tpu as pltpu
from jax.experimental.pallas import tpu_sc as plsc

_CTX_LENS = np.array([256, 384, 512, 640, 512, 640, 512, 640])
_TGT_LENS = np.array([512, 768, 1024, 1280, 1024, 1280, 1024, 1280])
_B = 8
_D = 512
_LMAX = int((_CTX_LENS + _TGT_LENS).max())
_CHUNK = 128
_NW = 32

_ctx_cu = np.concatenate([[0], np.cumsum(_CTX_LENS)]).astype(np.int64)
_tgt_cu = np.concatenate([[0], np.cumsum(_TGT_LENS)]).astype(np.int64)
_TOTAL_CTX = int(_ctx_cu[-1])
_TOTAL_TGT = int(_tgt_cu[-1])


def _dst_tables():
    ctx_dst, tgt_dst, pad_dst, tdat_dst, tz_dst = [], [], [], [], []
    for i in range(_B):
        cl, tl = int(_CTX_LENS[i]), int(_TGT_LENS[i])
        base = i * _LMAX
        for k in range(0, cl, _CHUNK):
            ctx_dst.append(base + k)
        for k in range(0, tl, _CHUNK):
            tgt_dst.append(base + cl + k)
        for k in range(cl + tl, _LMAX, _CHUNK):
            pad_dst.append(base + k)
        for k in range(0, tl, 256):
            tdat_dst.append(base + cl + k)
        for k in range(0, cl, 128):
            tz_dst.append(base + k)
        for k in range(cl + tl, _LMAX, 128):
            tz_dst.append(base + k)
    return ctx_dst, tgt_dst, pad_dst, tdat_dst, tz_dst


_CTX_DST, _TGT_DST, _PAD_DST, _TDAT_DST, _TZ_DST = _dst_tables()
assert len(_CTX_DST) == 32 and len(_TGT_DST) == 64 and len(_PAD_DST) == 24
assert len(_TDAT_DST) == 32 and len(_TZ_DST) == 56
assert all(_TGT_DST[2 * w + 1] == _TGT_DST[2 * w] + _CHUNK for w in range(32))

_MASK_NP = np.zeros((_B, _LMAX), dtype=bool)
for _i in range(_B):
    _cl, _tl = int(_CTX_LENS[_i]), int(_TGT_LENS[_i])
    _MASK_NP[_i, _cl:_cl + _tl] = True


def _chain(x, vals):
    out = jnp.int32(vals[-1])
    for w in reversed(range(len(vals) - 1)):
        out = jnp.where(x == w, jnp.int32(vals[w]), out)
    align = int(np.gcd.reduce([int(v) for v in vals]))
    return pl.multiple_of(out, align)


@functools.partial(
    pl.kernel,
    mesh=plsc.VectorSubcoreMesh(core_axis_name="c", subcore_axis_name="s"),
    out_type=[
        jax.ShapeDtypeStruct((_B * _LMAX, _D), jnp.float32),
        jax.ShapeDtypeStruct((_B * _LMAX,), jnp.int32),
    ],
    scratch_types=[
        pltpu.VMEM((_CHUNK,), jnp.int32),
        pltpu.VMEM((_CHUNK, _D), jnp.float32),
        pltpu.VMEM((256,), jnp.int32),
        pltpu.VMEM((128,), jnp.int32),
        pltpu.SemaphoreType.DMA,
    ],
)
def _sc_assemble(char_hbm, repr_hbm, cids_hbm, tin_hbm, ttgt_hbm, zf_hbm,
                 z32_hbm, rows_out, tgt_out, idx_v, rows_v, tdat_v, tz_v,
                 sem):
    wid = lax.axis_index("s") * 2 + lax.axis_index("c")

    pltpu.sync_copy(ttgt_hbm.at[pl.ds(wid * 256, 256)], tdat_v)
    dst_t = _chain(wid, _TDAT_DST)
    pltpu.sync_copy(tdat_v, tgt_out.at[pl.ds(dst_t, 256)])

    pltpu.sync_copy(z32_hbm, tz_v)
    dst_z0 = _chain(wid, _TZ_DST[:32])
    pltpu.sync_copy(tz_v, tgt_out.at[pl.ds(dst_z0, 128)])

    @pl.when(wid < 24)
    def _():
        dst_z1 = _chain(wid, _TZ_DST[32:])
        pltpu.sync_copy(tz_v, tgt_out.at[pl.ds(dst_z1, 128)])

        pltpu.sync_copy(zf_hbm, rows_v)
        dst_p = _chain(wid, _PAD_DST)
        pltpu.sync_copy(rows_v, rows_out.at[pl.ds(dst_p, _CHUNK)])

    pltpu.sync_copy(cids_hbm.at[pl.ds(wid * _CHUNK, _CHUNK)], idx_v)
    pltpu.async_copy(char_hbm.at[idx_v], rows_v, sem).wait()
    dst_c = _chain(wid, _CTX_DST)
    pltpu.sync_copy(rows_v, rows_out.at[pl.ds(dst_c, _CHUNK)])

    dst_g = _chain(wid, _TGT_DST[::2])
    for j in range(2):
        pltpu.sync_copy(tin_hbm.at[pl.ds((2 * wid + j) * _CHUNK, _CHUNK)],
                        idx_v)
        pltpu.async_copy(repr_hbm.at[idx_v], rows_v, sem).wait()
        pltpu.sync_copy(rows_v, rows_out.at[pl.ds(dst_g + j * _CHUNK,
                                                  _CHUNK)])


def kernel(char_table, repr_table, ctx_ids, tgt_input_ids, tgt_target_ids,
           ctx_cu_seqlens, tgt_cu_seqlens):
    t_dtype = tgt_target_ids.dtype
    rows_flat, tgt_flat = _sc_assemble(
        char_table.astype(jnp.float32),
        repr_table.astype(jnp.float32),
        ctx_ids.astype(jnp.int32),
        tgt_input_ids.astype(jnp.int32),
        tgt_target_ids.astype(jnp.int32),
        jnp.zeros((_CHUNK, _D), jnp.float32),
        jnp.zeros((128,), jnp.int32),
    )
    input_p = rows_flat.reshape(_B, _LMAX, _D)
    target_p = tgt_flat.reshape(_B, _LMAX).astype(t_dtype)
    mask_p = jnp.asarray(_MASK_NP)
    return (input_p, target_p, mask_p)

# --- scband reference (transcript-rebuilt; emitter-appended) ---
"""Pipeline reference for scband-local-model-7834020348312 (READ-ONLY COPY).

The authoritative reference and input builder live on the scoring server;
editing this copy changes nothing except your own understanding.
"""

import jax, jax.numpy as jnp
import numpy as np

CTX_LENS = np.array([256, 384, 512, 640, 512, 640, 512, 640])
TGT_LENS = np.array([512, 768, 1024, 1280, 1024, 1280, 1024, 1280])


def setup_inputs(seed: int = 0) -> dict:
    key = jax.random.key(seed)
    k1, k2, k3, k4, k5 = jax.random.split(key, 5)
    ctx_cu = np.concatenate([[0], np.cumsum(CTX_LENS)]).astype(np.int32)
    tgt_cu = np.concatenate([[0], np.cumsum(TGT_LENS)]).astype(np.int32)
    total_ctx = int(ctx_cu[-1])
    total_tgt = int(tgt_cu[-1])
    ctx_ids = jax.random.randint(k1, (total_ctx,), 0, 1000)
    tgt_input_ids = jax.random.randint(k2, (total_tgt,), 0, 100000)
    tgt_target_ids = jax.random.randint(k3, (total_tgt,), 0, 100000)
    char_table = jax.random.normal(k4, (1000, 512), dtype=jnp.float32) * 0.02
    repr_table = jax.random.normal(k5, (100000, 512), dtype=jnp.float32) * 0.02
    return {
        'char_table': char_table,
        'repr_table': repr_table,
        'ctx_ids': ctx_ids,
        'tgt_input_ids': tgt_input_ids,
        'tgt_target_ids': tgt_target_ids,
        'ctx_cu_seqlens': jnp.asarray(ctx_cu),
        'tgt_cu_seqlens': jnp.asarray(tgt_cu),
    }


def reference(char_table, repr_table, ctx_ids, tgt_input_ids, tgt_target_ids, ctx_cu_seqlens, tgt_cu_seqlens):
    # Faithful translation of LocalModel._prepare_batch_tensors with a context
    # embedder (char_table lookup) and a target embedder (repr_table lookup).
    # Context tokens get mask=False / dummy targets; target tokens get mask=True.
    # Ragged per-instance sequences are concatenated then padded (pad_sequence).
    B = ctx_cu_seqlens.shape[0] - 1
    inputs, targets, masks = [], [], []
    for i in range(B):
        clen = int(CTX_LENS[i])
        tlen = int(TGT_LENS[i])
        cids = jax.lax.dynamic_slice_in_dim(ctx_ids, ctx_cu_seqlens[i], clen)
        tin_ids = jax.lax.dynamic_slice_in_dim(tgt_input_ids, tgt_cu_seqlens[i], tlen)
        # embedder.embed -> gather rows from embedding tables
        context = jnp.take(char_table, cids, axis=0)
        target_input = jnp.take(repr_table, tin_ids, axis=0)
        target_target = jax.lax.dynamic_slice_in_dim(tgt_target_ids, tgt_cu_seqlens[i], tlen)
        inputs.append(jnp.concatenate([context, target_input], axis=0))
        dummy = jnp.zeros((clen,), dtype=target_target.dtype)
        targets.append(jnp.concatenate([dummy, target_target], axis=0))
        context_mask = jnp.zeros((clen,), dtype=bool)
        target_mask = jnp.ones((tlen,), dtype=bool)
        masks.append(jnp.concatenate([context_mask, target_mask], axis=0))
    Lmax = max(x.shape[0] for x in inputs)

    def pad(x, L):
        pads = [(0, L - x.shape[0])] + [(0, 0)] * (x.ndim - 1)
        return jnp.pad(x, pads)

    input_p = jnp.stack([pad(x, Lmax) for x in inputs])
    target_p = jnp.stack([pad(x, Lmax) for x in targets])
    mask_p = jnp.stack([pad(x, Lmax) for x in masks])
    return (input_p, target_p, mask_p)

if __name__ == "__main__":
    import jax
    _d = setup_inputs()
    print(jax.jit(kernel)(*tuple(_d.values())))

</pallas_src>

<mosaic_0001>
#map = affine_map<(d0, d1) -> (0, 0)>
#map1 = affine_map<(d0, d1) -> (0)>
module attributes {stable_mosaic.version = 14 : i64} {
  func.func @_sc_assemble(%arg0: i32, %arg1: i32, %arg2: memref<1000x512xf32, #tpu.memory_space<hbm>>, %arg3: memref<100000x512xf32, #tpu.memory_space<hbm>>, %arg4: memref<4096xi32, #tpu.memory_space<hbm>>, %arg5: memref<8192xi32, #tpu.memory_space<hbm>>, %arg6: memref<8192xi32, #tpu.memory_space<hbm>>, %arg7: memref<128x512xf32, #tpu.memory_space<hbm>>, %arg8: memref<128xi32, #tpu.memory_space<hbm>>, %arg9: memref<15360x512xf32, #tpu.memory_space<hbm>>, %arg10: memref<15360xi32, #tpu.memory_space<hbm>>, %arg11: memref<128xi32, #tpu.memory_space<vmem>>, %arg12: memref<128x512xf32, #tpu.memory_space<vmem>>, %arg13: memref<256xi32, #tpu.memory_space<vmem>>, %arg14: memref<128xi32, #tpu.memory_space<vmem>>, %arg15: memref<!tpu.dma_semaphore, #tpu.memory_space<semaphore_mem>>) attributes {dimension_semantics = [#tpu.dimension_semantics<core_parallel>, #tpu.dimension_semantics<subcore_parallel>], iteration_bounds = array<i64: 2, 16>, scalar_prefetch = 0 : i64, scratch_operands = 5 : i64, tpu.core_type = #tpu.core_type<sc_vector_subcore>, window_params = [{transform_indices = #map}, {transform_indices = #map}, {transform_indices = #map1}, {transform_indices = #map1}, {transform_indices = #map1}, {transform_indices = #map}, {transform_indices = #map1}, {transform_indices = #map}, {transform_indices = #map1}]} {
    %mul3A = arith.constant 2 : i32
    %mul3A_0 = arith.muli %arg1, %mul3A : i32
    %add3A = arith.addi %mul3A_0, %arg0 : i32
    %mul3A_1 = arith.constant 256 : i32
    %mul3A_2 = arith.muli %add3A, %mul3A_1 : i32
    "tpu.region"() ({
      %run_scoped3A = tpu.sem_alloc : memref<!tpu.dma_semaphore, #tpu.memory_space<semaphore_mem>>
      %dma_start3A_539 = tpu.memref_slice %arg6[%mul3A_2] : memref<8192xi32, #tpu.memory_space<hbm>> -> memref<256xi32, #tpu.memory_space<hbm>>
      %dma_start3A_540 = tpu.memref_slice %arg6[%mul3A_2] : memref<8192xi32, #tpu.memory_space<hbm>> -> memref<256xi32, #tpu.memory_space<hbm>>
      tpu.enqueue_dma source(%dma_start3A_540 : memref<256xi32, #tpu.memory_space<hbm>>) target(%arg13 : memref<256xi32, #tpu.memory_space<vmem>>) target_semaphore(%run_scoped3A : memref<!tpu.dma_semaphore, #tpu.memory_space<semaphore_mem>>)
      %dma_wait3A_541 = tpu.memref_slice %arg6[%mul3A_2] : memref<8192xi32, #tpu.memory_space<hbm>> -> memref<256xi32, #tpu.memory_space<hbm>>
      %dma_wait3A_542 = tpu.memref_slice %arg6[%mul3A_2] : memref<8192xi32, #tpu.memory_space<hbm>> -> memref<256xi32, #tpu.memory_space<hbm>>
      tpu.wait_dma2 semaphore(%run_scoped3A : memref<!tpu.dma_semaphore, #tpu.memory_space<semaphore_mem>>) src(%dma_wait3A_542 : memref<256xi32, #tpu.memory_space<hbm>>) dst(%arg13 : memref<256xi32, #tpu.memory_space<vmem>>)
      tpu.yield
    }) : () -> ()
    %eq3A = arith.constant 30 : i32
    %eq3A_3 = arith.cmpi eq, %add3A, %eq3A : i32
    %jit3A = arith.constant 14848 : i32
    %jit3A_4 = arith.constant 15104 : i32
    %select_n3A = arith.select %eq3A_3, %jit3A, %jit3A_4 : i32
    %eq3A_5 = arith.constant 29 : i32
    %eq3A_6 = arith.cmpi eq, %add3A, %eq3A_5 : i32
    %jit3A_7 = arith.constant 14592 : i32
    %select_n3A_8 = arith.select %eq3A_6, %jit3A_7, %select_n3A : i32
    %eq3A_9 = arith.constant 28 : i32
    %eq3A_10 = arith.cmpi eq, %add3A, %eq3A_9 : i32
    %jit3A_11 = arith.constant 14336 : i32
    %select_n3A_12 = arith.select %eq3A_10, %jit3A_11, %select_n3A_8 : i32
    %eq3A_13 = arith.constant 27 : i32
    %eq3A_14 = arith.cmpi eq, %add3A, %eq3A_13 : i32
    %jit3A_15 = arith.constant 14080 : i32
    %select_n3A_16 = arith.select %eq3A_14, %jit3A_15, %select_n3A_12 : i32
    %eq3A_17 = arith.constant 26 : i32
    %eq3A_18 = arith.cmpi eq, %add3A, %eq3A_17 : i32
    %jit3A_19 = arith.constant 12800 : i32
    %select_n3A_20 = arith.select %eq3A_18, %jit3A_19, %select_n3A_16 : i32
    %eq3A_21 = arith.constant 25 : i32
    %eq3A_22 = arith.cmpi eq, %add3A, %eq3A_21 : i32
    %jit3A_23 = arith.constant 12544 : i32
    %select_n3A_24 = arith.select %eq3A_22, %jit3A_23, %select_n3A_20 : i32
    %eq3A_25 = arith.constant 24 : i32
    %eq3A_26 = arith.cmpi eq, %add3A, %eq3A_25 : i32
    %jit3A_27 = arith.constant 12288 : i32
    %select_n3A_28 = arith.select %eq3A_26, %jit3A_27, %select_n3A_24 : i32
    %eq3A_29 = arith.constant 23 : i32
    %eq3A_30 = arith.cmpi eq, %add3A, %eq3A_29 : i32
    %jit3A_31 = arith.constant 12032 : i32
    %select_n3A_32 = arith.select %eq3A_30, %jit3A_31, %select_n3A_28 : i32
    %eq3A_33 = arith.constant 22 : i32
    %eq3A_34 = arith.cmpi eq, %add3A, %eq3A_33 : i32
    %jit3A_35 = arith.constant 11264 : i32
    %select_n3A_36 = arith.select %eq3A_34, %jit3A_35, %select_n3A_32 : i32
    %eq3A_37 = arith.constant 21 : i32
    %eq3A_38 = arith.cmpi eq, %add3A, %eq3A_37 : i32
    %jit3A_39 = arith.constant 11008 : i32
    %select_n3A_40 = arith.select %eq3A_38, %jit3A_39, %select_n3A_36 : i32
    %eq3A_41 = arith.constant 20 : i32
    %eq3A_42 = arith.cmpi eq, %add3A, %eq3A_41 : i32
    %jit3A_43 = arith.constant 10752 : i32
    %select_n3A_44 = arith.select %eq3A_42, %jit3A_43, %select_n3A_40 : i32
    %eq3A_45 = arith.constant 19 : i32
    %eq3A_46 = arith.cmpi eq, %add3A, %eq3A_45 : i32
    %jit3A_47 = arith.constant 10496 : i32
    %select_n3A_48 = arith.select %eq3A_46, %jit3A_47, %select_n3A_44 : i32
    %eq3A_49 = arith.constant 18 : i32
    %eq3A_50 = arith.cmpi eq, %add3A, %eq3A_49 : i32
    %jit3A_51 = arith.constant 10240 : i32
    %select_n3A_52 = arith.select %eq3A_50, %jit3A_51, %select_n3A_48 : i32
    %eq3A_53 = arith.constant 17 : i32
    %eq3A_54 = arith.cmpi eq, %add3A, %eq3A_53 : i32
    %jit3A_55 = arith.constant 8960 : i32
    %select_n3A_56 = arith.select %eq3A_54, %jit3A_55, %select_n3A_52 : i32
    %eq3A_57 = arith.constant 16 : i32
    %eq3A_58 = arith.cmpi eq, %add3A, %eq3A_57 : i32
    %jit3A_59 = arith.constant 8704 : i32
    %select_n3A_60 = arith.select %eq3A_58, %jit3A_59, %select_n3A_56 : i32
    %eq3A_61 = arith.constant 15 : i32
    %eq3A_62 = arith.cmpi eq, %add3A, %eq3A_61 : i32
    %jit3A_63 = arith.constant 8448 : i32
    %select_n3A_64 = arith.select %eq3A_62, %jit3A_63, %select_n3A_60 : i32
    %eq3A_65 = arith.constant 14 : i32
    %eq3A_66 = arith.cmpi eq, %add3A, %eq3A_65 : i32
    %jit3A_67 = arith.constant 8192 : i32
    %select_n3A_68 = arith.select %eq3A_66, %jit3A_67, %select_n3A_64 : i32
    %eq3A_69 = arith.constant 13 : i32
    %eq3A_70 = arith.cmpi eq, %add3A, %eq3A_69 : i32
    %jit3A_71 = arith.constant 7424 : i32
    %select_n3A_72 = arith.select %eq3A_70, %jit3A_71, %select_n3A_68 : i32
    %eq3A_73 = arith.constant 12 : i32
    %eq3A_74 = arith.cmpi eq, %add3A, %eq3A_73 : i32
    %jit3A_75 = arith.constant 7168 : i32
    %select_n3A_76 = arith.select %eq3A_74, %jit3A_75, %select_n3A_72 : i32
    %eq3A_77 = arith.constant 11 : i32
    %eq3A_78 = arith.cmpi eq, %add3A, %eq3A_77 : i32
    %jit3A_79 = arith.constant 6912 : i32
    %select_n3A_80 = arith.select %eq3A_78, %jit3A_79, %select_n3A_76 : i32
    %eq3A_81 = arith.constant 10 : i32
    %eq3A_82 = arith.cmpi eq, %add3A, %eq3A_81 : i32
    %jit3A_83 = arith.constant 6656 : i32
    %select_n3A_84 = arith.select %eq3A_82, %jit3A_83, %select_n3A_80 : i32
    %eq3A_85 = arith.constant 9 : i32
    %eq3A_86 = arith.cmpi eq, %add3A, %eq3A_85 : i32
    %jit3A_87 = arith.constant 6400 : i32
    %select_n3A_88 = arith.select %eq3A_86, %jit3A_87, %select_n3A_84 : i32
    %eq3A_89 = arith.constant 8 : i32
    %eq3A_90 = arith.cmpi eq, %add3A, %eq3A_89 : i32
    %jit3A_91 = arith.constant 5120 : i32
    %select_n3A_92 = arith.select %eq3A_90, %jit3A_91, %select_n3A_88 : i32
    %eq3A_93 = arith.constant 7 : i32
    %eq3A_94 = arith.cmpi eq, %add3A, %eq3A_93 : i32
    %jit3A_95 = arith.constant 4864 : i32
    %select_n3A_96 = arith.select %eq3A_94, %jit3A_95, %select_n3A_92 : i32
    %eq3A_97 = arith.constant 6 : i32
    %eq3A_98 = arith.cmpi eq, %add3A, %eq3A_97 : i32
    %jit3A_99 = arith.constant 4608 : i32
    %select_n3A_100 = arith.select %eq3A_98, %jit3A_99, %select_n3A_96 : i32
    %eq3A_101 = arith.constant 5 : i32
    %eq3A_102 = arith.cmpi eq, %add3A, %eq3A_101 : i32
    %jit3A_103 = arith.constant 4352 : i32
    %select_n3A_104 = arith.select %eq3A_102, %jit3A_103, %select_n3A_100 : i32
    %eq3A_105 = arith.constant 4 : i32
    %eq3A_106 = arith.cmpi eq, %add3A, %eq3A_105 : i32
    %jit3A_107 = arith.constant 2816 : i32
    %select_n3A_108 = arith.select %eq3A_106, %jit3A_107, %select_n3A_104 : i32
    %eq3A_109 = arith.constant 3 : i32
    %eq3A_110 = arith.cmpi eq, %add3A, %eq3A_109 : i32
    %jit3A_111 = arith.constant 2560 : i32
    %select_n3A_112 = arith.select %eq3A_110, %jit3A_111, %select_n3A_108 : i32
    %eq3A_113 = arith.constant 2 : i32
    %eq3A_114 = arith.cmpi eq, %add3A, %eq3A_113 : i32
    %jit3A_115 = arith.constant 2304 : i32
    %select_n3A_116 = arith.select %eq3A_114, %jit3A_115, %select_n3A_112 : i32
    %eq3A_117 = arith.constant 1 : i32
    %eq3A_118 = arith.cmpi eq, %add3A, %eq3A_117 : i32
    %jit3A_119 = arith.constant 512 : i32
    %select_n3A_120 = arith.select %eq3A_118, %jit3A_119, %select_n3A_116 : i32
    %eq3A_121 = arith.constant 0 : i32
    %eq3A_122 = arith.cmpi eq, %add3A, %eq3A_121 : i32
    %jit3A_123 = arith.constant 256 : i32
    %select_n3A_124 = arith.select %eq3A_122, %jit3A_123, %select_n3A_120 : i32
    %multiple_of3A = tpu.assume_multiple %select_n3A_124, 256 : i32
    "tpu.region"() ({
      %run_scoped3A = tpu.sem_alloc : memref<!tpu.dma_semaphore, #tpu.memory_space<semaphore_mem>>
      %dma_start3A_539 = tpu.memref_slice %arg10[%multiple_of3A] : memref<15360xi32, #tpu.memory_space<hbm>> -> memref<256xi32, #tpu.memory_space<hbm>>
      %dma_start3A_540 = tpu.memref_slice %arg10[%multiple_of3A] : memref<15360xi32, #tpu.memory_space<hbm>> -> memref<256xi32, #tpu.memory_space<hbm>>
      tpu.enqueue_dma source(%arg13 : memref<256xi32, #tpu.memory_space<vmem>>) target(%dma_start3A_540 : memref<256xi32, #tpu.memory_space<hbm>>) target_semaphore(%run_scoped3A : memref<!tpu.dma_semaphore, #tpu.memory_space<semaphore_mem>>)
      %dma_wait3A_541 = tpu.memref_slice %arg10[%multiple_of3A] : memref<15360xi32, #tpu.memory_space<hbm>> -> memref<256xi32, #tpu.memory_space<hbm>>
      %dma_wait3A_542 = tpu.memref_slice %arg10[%multiple_of3A] : memref<15360xi32, #tpu.memory_space<hbm>> -> memref<256xi32, #tpu.memory_space<hbm>>
      tpu.wait_dma2 semaphore(%run_scoped3A : memref<!tpu.dma_semaphore, #tpu.memory_space<semaphore_mem>>) src(%arg13 : memref<256xi32, #tpu.memory_space<vmem>>) dst(%dma_wait3A_542 : memref<256xi32, #tpu.memory_space<hbm>>)
      tpu.yield
    }) : () -> ()
    "tpu.region"() ({
      %run_scoped3A = tpu.sem_alloc : memref<!tpu.dma_semaphore, #tpu.memory_space<semaphore_mem>>
      tpu.enqueue_dma source(%arg8 : memref<128xi32, #tpu.memory_space<hbm>>) target(%arg14 : memref<128xi32, #tpu.memory_space<vmem>>) target_semaphore(%run_scoped3A : memref<!tpu.dma_semaphore, #tpu.memory_space<semaphore_mem>>)
      tpu.wait_dma2 semaphore(%run_scoped3A : memref<!tpu.dma_semaphore, #tpu.memory_space<semaphore_mem>>) src(%arg8 : memref<128xi32, #tpu.memory_space<hbm>>) dst(%arg14 : memref<128xi32, #tpu.memory_space<vmem>>)
      tpu.yield
    }) : () -> ()
    %eq3A_125 = arith.constant 30 : i32
    %eq3A_126 = arith.cmpi eq, %add3A, %eq3A_125 : i32
    %jit3A_127 = arith.constant 6144 : i32
    %jit3A_128 = arith.constant 6272 : i32
    %select_n3A_129 = arith.select %eq3A_126, %jit3A_127, %jit3A_128 : i32
    %eq3A_130 = arith.constant 29 : i32
    %eq3A_131 = arith.cmpi eq, %add3A, %eq3A_130 : i32
    %jit3A_132 = arith.constant 6016 : i32
    %select_n3A_133 = arith.select %eq3A_131, %jit3A_132, %select_n3A_129 : i32
    %eq3A_134 = arith.constant 28 : i32
    %eq3A_135 = arith.cmpi eq, %add3A, %eq3A_134 : i32
    %jit3A_136 = arith.constant 5888 : i32
    %select_n3A_137 = arith.select %eq3A_135, %jit3A_136, %select_n3A_133 : i32
    %eq3A_138 = arith.constant 27 : i32
    %eq3A_139 = arith.cmpi eq, %add3A, %eq3A_138 : i32
    %jit3A_140 = arith.constant 5760 : i32
    %select_n3A_141 = arith.select %eq3A_139, %jit3A_140, %select_n3A_137 : i32
    %eq3A_142 = arith.constant 26 : i32
    %eq3A_143 = arith.cmpi eq, %add3A, %eq3A_142 : i32
    %jit3A_144 = arith.constant 5632 : i32
    %select_n3A_145 = arith.select %eq3A_143, %jit3A_144, %select_n3A_141 : i32
    %eq3A_146 = arith.constant 25 : i32
    %eq3A_147 = arith.cmpi eq, %add3A, %eq3A_146 : i32
    %jit3A_148 = arith.constant 5504 : i32
    %select_n3A_149 = arith.select %eq3A_147, %jit3A_148, %select_n3A_145 : i32
    %eq3A_150 = arith.constant 24 : i32
    %eq3A_151 = arith.cmpi eq, %add3A, %eq3A_150 : i32
    %jit3A_152 = arith.constant 5376 : i32
    %select_n3A_153 = arith.select %eq3A_151, %jit3A_152, %select_n3A_149 : i32
    %eq3A_154 = arith.constant 23 : i32
    %eq3A_155 = arith.cmpi eq, %add3A, %eq3A_154 : i32
    %jit3A_156 = arith.constant 4224 : i32
    %select_n3A_157 = arith.select %eq3A_155, %jit3A_156, %select_n3A_153 : i32
    %eq3A_158 = arith.constant 22 : i32
    %eq3A_159 = arith.cmpi eq, %add3A, %eq3A_158 : i32
    %jit3A_160 = arith.constant 4096 : i32
    %select_n3A_161 = arith.select %eq3A_159, %jit3A_160, %select_n3A_157 : i32
    %eq3A_162 = arith.constant 21 : i32
    %eq3A_163 = arith.cmpi eq, %add3A, %eq3A_162 : i32
    %jit3A_164 = arith.constant 3968 : i32
    %select_n3A_165 = arith.select %eq3A_163, %jit3A_164, %select_n3A_161 : i32
    %eq3A_166 = arith.constant 20 : i32
    %eq3A_167 = arith.cmpi eq, %add3A, %eq3A_166 : i32
    %jit3A_168 = arith.constant 3840 : i32
    %select_n3A_169 = arith.select %eq3A_167, %jit3A_168, %select_n3A_165 : i32
    %eq3A_170 = arith.constant 19 : i32
    %eq3A_171 = arith.cmpi eq, %add3A, %eq3A_170 : i32
    %jit3A_172 = arith.constant 3712 : i32
    %select_n3A_173 = arith.select %eq3A_171, %jit3A_172, %select_n3A_169 : i32
    %eq3A_174 = arith.constant 18 : i32
    %eq3A_175 = arith.cmpi eq, %add3A, %eq3A_174 : i32
    %jit3A_176 = arith.constant 3584 : i32
    %select_n3A_177 = arith.select %eq3A_175, %jit3A_176, %select_n3A_173 : i32
    %eq3A_178 = arith.constant 17 : i32
    %eq3A_179 = arith.cmpi eq, %add3A, %eq3A_178 : i32
    %jit3A_180 = arith.constant 3456 : i32
    %select_n3A_181 = arith.select %eq3A_179, %jit3A_180, %select_n3A_177 : i32
    %eq3A_182 = arith.constant 16 : i32
    %eq3A_183 = arith.cmpi eq, %add3A, %eq3A_182 : i32
    %jit3A_184 = arith.constant 3328 : i32
    %select_n3A_185 = arith.select %eq3A_183, %jit3A_184, %select_n3A_181 : i32
    %eq3A_186 = arith.constant 15 : i32
    %eq3A_187 = arith.cmpi eq, %add3A, %eq3A_186 : i32
    %jit3A_188 = arith.constant 3200 : i32
    %select_n3A_189 = arith.select %eq3A_187, %jit3A_188, %select_n3A_185 : i32
    %eq3A_190 = arith.constant 14 : i32
    %eq3A_191 = arith.cmpi eq, %add3A, %eq3A_190 : i32
    %jit3A_192 = arith.constant 3072 : i32
    %select_n3A_193 = arith.select %eq3A_191, %jit3A_192, %select_n3A_189 : i32
    %eq3A_194 = arith.constant 13 : i32
    %eq3A_195 = arith.cmpi eq, %add3A, %eq3A_194 : i32
    %jit3A_196 = arith.constant 2176 : i32
    %select_n3A_197 = arith.select %eq3A_195, %jit3A_196, %select_n3A_193 : i32
    %eq3A_198 = arith.constant 12 : i32
    %eq3A_199 = arith.cmpi eq, %add3A, %eq3A_198 : i32
    %jit3A_200 = arith.constant 2048 : i32
    %select_n3A_201 = arith.select %eq3A_199, %jit3A_200, %select_n3A_197 : i32
    %eq3A_202 = arith.constant 11 : i32
    %eq3A_203 = arith.cmpi eq, %add3A, %eq3A_202 : i32
    %jit3A_204 = arith.constant 1920 : i32
    %select_n3A_205 = arith.select %eq3A_203, %jit3A_204, %select_n3A_201 : i32
    %eq3A_206 = arith.constant 10 : i32
    %eq3A_207 = arith.cmpi eq, %add3A, %eq3A_206 : i32
    %jit3A_208 = arith.constant 1792 : i32
    %select_n3A_209 = arith.select %eq3A_207, %jit3A_208, %select_n3A_205 : i32
    %eq3A_210 = arith.constant 9 : i32
    %eq3A_211 = arith.cmpi eq, %add3A, %eq3A_210 : i32
    %jit3A_212 = arith.constant 1664 : i32
    %select_n3A_213 = arith.select %eq3A_211, %jit3A_212, %select_n3A_209 : i32
    %eq3A_214 = arith.constant 8 : i32
    %eq3A_215 = arith.cmpi eq, %add3A, %eq3A_214 : i32
    %jit3A_216 = arith.constant 1536 : i32
    %select_n3A_217 = arith.select %eq3A_215, %jit3A_216, %select_n3A_213 : i32
    %eq3A_218 = arith.constant 7 : i32
    %eq3A_219 = arith.cmpi eq, %add3A, %eq3A_218 : i32
    %jit3A_220 = arith.constant 1408 : i32
    %select_n3A_221 = arith.select %eq3A_219, %jit3A_220, %select_n3A_217 : i32
    %eq3A_222 = arith.constant 6 : i32
    %eq3A_223 = arith.cmpi eq, %add3A, %eq3A_222 : i32
    %jit3A_224 = arith.constant 1280 : i32
    %select_n3A_225 = arith.select %eq3A_223, %jit3A_224, %select_n3A_221 : i32
    %eq3A_226 = arith.constant 5 : i32
    %eq3A_227 = arith.cmpi eq, %add3A, %eq3A_226 : i32
    %jit3A_228 = arith.constant 1152 : i32
    %select_n3A_229 = arith.select %eq3A_227, %jit3A_228, %select_n3A_225 : i32
    %eq3A_230 = arith.constant 4 : i32
    %eq3A_231 = arith.cmpi eq, %add3A, %eq3A_230 : i32
    %jit3A_232 = arith.constant 1024 : i32
    %select_n3A_233 = arith.select %eq3A_231, %jit3A_232, %select_n3A_229 : i32
    %eq3A_234 = arith.constant 3 : i32
    %eq3A_235 = arith.cmpi eq, %add3A, %eq3A_234 : i32
    %jit3A_236 = arith.constant 896 : i32
    %select_n3A_237 = arith.select %eq3A_235, %jit3A_236, %select_n3A_233 : i32
    %eq3A_238 = arith.constant 2 : i32
    %eq3A_239 = arith.cmpi eq, %add3A, %eq3A_238 : i32
    %jit3A_240 = arith.constant 768 : i32
    %select_n3A_241 = arith.select %eq3A_239, %jit3A_240, %select_n3A_237 : i32
    %eq3A_242 = arith.constant 1 : i32
    %eq3A_243 = arith.cmpi eq, %add3A, %eq3A_242 : i32
    %jit3A_244 = arith.constant 128 : i32
    %select_n3A_245 = arith.select %eq3A_243, %jit3A_244, %select_n3A_241 : i32
    %eq3A_246 = arith.constant 0 : i32
    %eq3A_247 = arith.cmpi eq, %add3A, %eq3A_246 : i32
    %jit3A_248 = arith.constant 0 : i32
    %select_n3A_249 = arith.select %eq3A_247, %jit3A_248, %select_n3A_245 : i32
    %multiple_of3A_250 = tpu.assume_multiple %select_n3A_249, 128 : i32
    "tpu.region"() ({
      %run_scoped3A = tpu.sem_alloc : memref<!tpu.dma_semaphore, #tpu.memory_space<semaphore_mem>>
      %dma_start3A_539 = tpu.memref_slice %arg10[%multiple_of3A_250] : memref<15360xi32, #tpu.memory_space<hbm>> -> memref<128xi32, #tpu.memory_space<hbm>>
      %dma_start3A_540 = tpu.memref_slice %arg10[%multiple_of3A_250] : memref<15360xi32, #tpu.memory_space<hbm>> -> memref<128xi32, #tpu.memory_space<hbm>>
      tpu.enqueue_dma source(%arg14 : memref<128xi32, #tpu.memory_space<vmem>>) target(%dma_start3A_540 : memref<128xi32, #tpu.memory_space<hbm>>) target_semaphore(%run_scoped3A : memref<!tpu.dma_semaphore, #tpu.memory_space<semaphore_mem>>)
      %dma_wait3A_541 = tpu.memref_slice %arg10[%multiple_of3A_250] : memref<15360xi32, #tpu.memory_space<hbm>> -> memref<128xi32, #tpu.memory_space<hbm>>
      %dma_wait3A_542 = tpu.memref_slice %arg10[%multiple_of3A_250] : memref<15360xi32, #tpu.memory_space<hbm>> -> memref<128xi32, #tpu.memory_space<hbm>>
      tpu.wait_dma2 semaphore(%run_scoped3A : memref<!tpu.dma_semaphore, #tpu.memory_space<semaphore_mem>>) src(%arg14 : memref<128xi32, #tpu.memory_space<vmem>>) dst(%dma_wait3A_542 : memref<128xi32, #tpu.memory_space<hbm>>)
      tpu.yield
    }) : () -> ()
    %lt3A = arith.constant 24 : i32
    %lt3A_251 = arith.cmpi slt, %add3A, %lt3A : i32
    %convert_element_type3A = arith.extui %lt3A_251 : i1 to i32
    %cond3A = arith.constant 0 : i32
    %cond3A_252 = arith.cmpi ne, %convert_element_type3A, %cond3A : i32
    scf.if %cond3A_252 {
      %eq3A_539 = arith.constant 22 : i32
      %eq3A_540 = arith.cmpi eq, %add3A, %eq3A_539 : i32
      %jit3A_541 = arith.constant 13824 : i32
      %jit3A_542 = arith.constant 13952 : i32
      %select_n3A_543 = arith.select %eq3A_540, %jit3A_541, %jit3A_542 : i32
      %eq3A_544 = arith.constant 21 : i32
      %eq3A_545 = arith.cmpi eq, %add3A, %eq3A_544 : i32
      %jit3A_546 = arith.constant 13696 : i32
      %select_n3A_547 = arith.select %eq3A_545, %jit3A_546, %select_n3A_543 : i32
      %eq3A_548 = arith.constant 20 : i32
      %eq3A_549 = arith.cmpi eq, %add3A, %eq3A_548 : i32
      %jit3A_550 = arith.constant 13568 : i32
      %select_n3A_551 = arith.select %eq3A_549, %jit3A_550, %select_n3A_547 : i32
      %eq3A_552 = arith.constant 19 : i32
      %eq3A_553 = arith.cmpi eq, %add3A, %eq3A_552 : i32
      %jit3A_554 = arith.constant 13440 : i32
      %select_n3A_555 = arith.select %eq3A_553, %jit3A_554, %select_n3A_551 : i32
      %eq3A_556 = arith.constant 18 : i32
      %eq3A_557 = arith.cmpi eq, %add3A, %eq3A_556 : i32
      %jit3A_558 = arith.constant 13312 : i32
      %select_n3A_559 = arith.select %eq3A_557, %jit3A_558, %select_n3A_555 : i32
      %eq3A_560 = arith.constant 17 : i32
      %eq3A_561 = arith.cmpi eq, %add3A, %eq3A_560 : i32
      %jit3A_562 = arith.constant 13184 : i32
      %select_n3A_563 = arith.select %eq3A_561, %jit3A_562, %select_n3A_559 : i32
      %eq3A_564 = arith.constant 16 : i32
      %eq3A_565 = arith.cmpi eq, %add3A, %eq3A_564 : i32
      %jit3A_566 = arith.constant 13056 : i32
      %select_n3A_567 = arith.select %eq3A_565, %jit3A_566, %select_n3A_563 : i32
      %eq3A_568 = arith.constant 15 : i32
      %eq3A_569 = arith.cmpi eq, %add3A, %eq3A_568 : i32
      %jit3A_570 = arith.constant 11904 : i32
      %select_n3A_571 = arith.select %eq3A_569, %jit3A_570, %select_n3A_567 : i32
      %eq3A_572 = arith.constant 14 : i32
      %eq3A_573 = arith.cmpi eq, %add3A, %eq3A_572 : i32
      %jit3A_574 = arith.constant 11776 : i32
      %select_n3A_575 = arith.select %eq3A_573, %jit3A_574, %select_n3A_571 : i32
      %eq3A_576 = arith.constant 13 : i32
      %eq3A_577 = arith.cmpi eq, %add3A, %eq3A_576 : i32
      %jit3A_578 = arith.constant 11648 : i32
      %select_n3A_579 = arith.select %eq3A_577, %jit3A_578, %select_n3A_575 : i32
      %eq3A_580 = arith.constant 12 : i32
      %eq3A_581 = arith.cmpi eq, %add3A, %eq3A_580 : i32
      %jit3A_582 = arith.constant 11520 : i32
      %select_n3A_583 = arith.select %eq3A_581, %jit3A_582, %select_n3A_579 : i32
      %eq3A_584 = arith.constant 11 : i32
      %eq3A_585 = arith.cmpi eq, %add3A, %eq3A_584 : i32
      %jit3A_586 = arith.constant 10112 : i32
      %select_n3A_587 = arith.select %eq3A_585, %jit3A_586, %select_n3A_583 : i32
      %eq3A_588 = arith.constant 10 : i32
      %eq3A_589 = arith.cmpi eq, %add3A, %eq3A_588 : i32
      %jit3A_590 = arith.constant 9984 : i32
      %select_n3A_591 = arith.select %eq3A_589, %jit3A_590, %select_n3A_587 : i32
      %eq3A_592 = arith.constant 9 : i32
      %eq3A_593 = arith.cmpi eq, %add3A, %eq3A_592 : i32
      %jit3A_594 = arith.constant 9856 : i32
      %select_n3A_595 = arith.select %eq3A_593, %jit3A_594, %select_n3A_591 : i32
      %eq3A_596 = arith.constant 8 : i32
      %eq3A_597 = arith.cmpi eq, %add3A, %eq3A_596 : i32
      %jit3A_598 = arith.constant 9728 : i32
      %select_n3A_599 = arith.select %eq3A_597, %jit3A_598, %select_n3A_595 : i32
      %eq3A_600 = arith.constant 7 : i32
      %eq3A_601 = arith.cmpi eq, %add3A, %eq3A_600 : i32
      %jit3A_602 = arith.constant 9600 : i32
      %select_n3A_603 = arith.select %eq3A_601, %jit3A_602, %select_n3A_599 : i32
      %eq3A_604 = arith.constant 6 : i32
      %eq3A_605 = arith.cmpi eq, %add3A, %eq3A_604 : i32
      %jit3A_606 = arith.constant 9472 : i32
      %select_n3A_607 = arith.select %eq3A_605, %jit3A_606, %select_n3A_603 : i32
      %eq3A_608 = arith.constant 5 : i32
      %eq3A_609 = arith.cmpi eq, %add3A, %eq3A_608 : i32
      %jit3A_610 = arith.constant 9344 : i32
      %select_n3A_611 = arith.select %eq3A_609, %jit3A_610, %select_n3A_607 : i32
      %eq3A_612 = arith.constant 4 : i32
      %eq3A_613 = arith.cmpi eq, %add3A, %eq3A_612 : i32
      %jit3A_614 = arith.constant 9216 : i32
      %select_n3A_615 = arith.select %eq3A_613, %jit3A_614, %select_n3A_611 : i32
      %eq3A_616 = arith.constant 3 : i32
      %eq3A_617 = arith.cmpi eq, %add3A, %eq3A_616 : i32
      %jit3A_618 = arith.constant 8064 : i32
      %select_n3A_619 = arith.select %eq3A_617, %jit3A_618, %select_n3A_615 : i32
      %eq3A_620 = arith.constant 2 : i32
      %eq3A_621 = arith.cmpi eq, %add3A, %eq3A_620 : i32
      %jit3A_622 = arith.constant 7936 : i32
      %select_n3A_623 = arith.select %eq3A_621, %jit3A_622, %select_n3A_619 : i32
      %eq3A_624 = arith.constant 1 : i32
      %eq3A_625 = arith.cmpi eq, %add3A, %eq3A_624 : i32
      %jit3A_626 = arith.constant 7808 : i32
      %select_n3A_627 = arith.select %eq3A_625, %jit3A_626, %select_n3A_623 : i32
      %eq3A_628 = arith.constant 0 : i32
      %eq3A_629 = arith.cmpi eq, %add3A, %eq3A_628 : i32
      %jit3A_630 = arith.constant 7680 : i32
      %select_n3A_631 = arith.select %eq3A_629, %jit3A_630, %select_n3A_627 : i32
      %multiple_of3A_632 = tpu.assume_multiple %select_n3A_631, 128 : i32
      "tpu.region"() ({
        %run_scoped3A = tpu.sem_alloc : memref<!tpu.dma_semaphore, #tpu.memory_space<semaphore_mem>>
        %dma_start3A_727 = tpu.memref_slice %arg10[%multiple_of3A_632] : memref<15360xi32, #tpu.memory_space<hbm>> -> memref<128xi32, #tpu.memory_space<hbm>>
        %dma_start3A_728 = tpu.memref_slice %arg10[%multiple_of3A_632] : memref<15360xi32, #tpu.memory_space<hbm>> -> memref<128xi32, #tpu.memory_space<hbm>>
        tpu.enqueue_dma source(%arg14 : memref<128xi32, #tpu.memory_space<vmem>>) target(%dma_start3A_728 : memref<128xi32, #tpu.memory_space<hbm>>) target_semaphore(%run_scoped3A : memref<!tpu.dma_semaphore, #tpu.memory_space<semaphore_mem>>)
        %dma_wait3A_729 = tpu.memref_slice %arg10[%multiple_of3A_632] : memref<15360xi32, #tpu.memory_space<hbm>> -> memref<128xi32, #tpu.memory_space<hbm>>
        %dma_wait3A_730 = tpu.memref_slice %arg10[%multiple_of3A_632] : memref<15360xi32, #tpu.memory_space<hbm>> -> memref<128xi32, #tpu.memory_space<hbm>>
        tpu.wait_dma2 semaphore(%run_scoped3A : memref<!tpu.dma_semaphore, #tpu.memory_space<semaphore_mem>>) src(%arg14 : memref<128xi32, #tpu.memory_space<vmem>>) dst(%dma_wait3A_730 : memref<128xi32, #tpu.memory_space<hbm>>)
        tpu.yield
      }) : () -> ()
      "tpu.region"() ({
        %run_scoped3A = tpu.sem_alloc : memref<!tpu.dma_semaphore, #tpu.memory_space<semaphore_mem>>
        tpu.enqueue_dma source(%arg7 : memref<128x512xf32, #tpu.memory_space<hbm>>) target(%arg12 : memref<128x512xf32, #tpu.memory_space<vmem>>) target_semaphore(%run_scoped3A : memref<!tpu.dma_semaphore, #tpu.memory_space<semaphore_mem>>)
        tpu.wait_dma2 semaphore(%run_scoped3A : memref<!tpu.dma_semaphore, #tpu.memory_space<semaphore_mem>>) src(%arg7 : memref<128x512xf32, #tpu.memory_space<hbm>>) dst(%arg12 : memref<128x512xf32, #tpu.memory_space<vmem>>)
        tpu.yield
      }) : () -> ()
      %eq3A_633 = arith.constant 22 : i32
      %eq3A_634 = arith.cmpi eq, %add3A, %eq3A_633 : i32
      %jit3A_635 = arith.constant 13184 : i32
      %jit3A_636 = arith.constant 13312 : i32
      %select_n3A_637 = arith.select %eq3A_634, %jit3A_635, %jit3A_636 : i32
      %eq3A_638 = arith.constant 21 : i32
      %eq3A_639 = arith.cmpi eq, %add3A, %eq3A_638 : i32
      %jit3A_640 = arith.constant 13056 : i32
      %select_n3A_641 = arith.select %eq3A_639, %jit3A_640, %select_n3A_637 : i32
      %eq3A_642 = arith.constant 20 : i32
      %eq3A_643 = arith.cmpi eq, %add3A, %eq3A_642 : i32
      %jit3A_644 = arith.constant 9472 : i32
      %select_n3A_645 = arith.select %eq3A_643, %jit3A_644, %select_n3A_641 : i32
      %eq3A_646 = arith.constant 19 : i32
      %eq3A_647 = arith.cmpi eq, %add3A, %eq3A_646 : i32
      %jit3A_648 = arith.constant 9344 : i32
      %select_n3A_649 = arith.select %eq3A_647, %jit3A_648, %select_n3A_645 : i32
      %eq3A_650 = arith.constant 18 : i32
      %eq3A_651 = arith.cmpi eq, %add3A, %eq3A_650 : i32
      %jit3A_652 = arith.constant 9216 : i32
      %select_n3A_653 = arith.select %eq3A_651, %jit3A_652, %select_n3A_649 : i32
      %eq3A_654 = arith.constant 17 : i32
      %eq3A_655 = arith.cmpi eq, %add3A, %eq3A_654 : i32
      %jit3A_656 = arith.constant 5632 : i32
      %select_n3A_657 = arith.select %eq3A_655, %jit3A_656, %select_n3A_653 : i32
      %eq3A_658 = arith.constant 16 : i32
      %eq3A_659 = arith.cmpi eq, %add3A, %eq3A_658 : i32
      %jit3A_660 = arith.constant 5504 : i32
      %select_n3A_661 = arith.select %eq3A_659, %jit3A_660, %select_n3A_657 : i32
      %eq3A_662 = arith.constant 15 : i32
      %eq3A_663 = arith.cmpi eq, %add3A, %eq3A_662 : i32
      %jit3A_664 = arith.constant 5376 : i32
      %select_n3A_665 = arith.select %eq3A_663, %jit3A_664, %select_n3A_661 : i32
      %eq3A_666 = arith.constant 14 : i32
      %eq3A_667 = arith.cmpi eq, %add3A, %eq3A_666 : i32
      %jit3A_668 = arith.constant 3712 : i32
      %select_n3A_669 = arith.select %eq3A_667, %jit3A_668, %select_n3A_665 : i32
      %eq3A_670 = arith.constant 13 : i32
      %eq3A_671 = arith.cmpi eq, %add3A, %eq3A_670 : i32
      %jit3A_672 = arith.constant 3584 : i32
      %select_n3A_673 = arith.select %eq3A_671, %jit3A_672, %select_n3A_669 : i32
      %eq3A_674 = arith.constant 12 : i32
      %eq3A_675 = arith.cmpi eq, %add3A, %eq3A_674 : i32
      %jit3A_676 = arith.constant 3456 : i32
      %select_n3A_677 = arith.select %eq3A_675, %jit3A_676, %select_n3A_673 : i32
      %eq3A_678 = arith.constant 11 : i32
      %eq3A_679 = arith.cmpi eq, %add3A, %eq3A_678 : i32
      %jit3A_680 = arith.constant 3328 : i32
      %select_n3A_681 = arith.select %eq3A_679, %jit3A_680, %select_n3A_677 : i32
      %eq3A_682 = arith.constant 10 : i32
      %eq3A_683 = arith.cmpi eq, %add3A, %eq3A_682 : i32
      %jit3A_684 = arith.constant 3200 : i32
      %select_n3A_685 = arith.select %eq3A_683, %jit3A_684, %select_n3A_681 : i32
      %eq3A_686 = arith.constant 9 : i32
      %eq3A_687 = arith.cmpi eq, %add3A, %eq3A_686 : i32
      %jit3A_688 = arith.constant 3072 : i32
      %select_n3A_689 = arith.select %eq3A_687, %jit3A_688, %select_n3A_685 : i32
      %eq3A_690 = arith.constant 8 : i32
      %eq3A_691 = arith.cmpi eq, %add3A, %eq3A_690 : i32
      %jit3A_692 = arith.constant 1792 : i32
      %select_n3A_693 = arith.select %eq3A_691, %jit3A_692, %select_n3A_689 : i32
      %eq3A_694 = arith.constant 7 : i32
      %eq3A_695 = arith.cmpi eq, %add3A, %eq3A_694 : i32
      %jit3A_696 = arith.constant 1664 : i32
      %select_n3A_697 = arith.select %eq3A_695, %jit3A_696, %select_n3A_693 : i32
      %eq3A_698 = arith.constant 6 : i32
      %eq3A_699 = arith.cmpi eq, %add3A, %eq3A_698 : i32
      %jit3A_700 = arith.constant 1536 : i32
      %select_n3A_701 = arith.select %eq3A_699, %jit3A_700, %select_n3A_697 : i32
      %eq3A_702 = arith.constant 5 : i32
      %eq3A_703 = arith.cmpi eq, %add3A, %eq3A_702 : i32
      %jit3A_704 = arith.constant 1408 : i32
      %select_n3A_705 = arith.select %eq3A_703, %jit3A_704, %select_n3A_701 : i32
      %eq3A_706 = arith.constant 4 : i32
      %eq3A_707 = arith.cmpi eq, %add3A, %eq3A_706 : i32
      %jit3A_708 = arith.constant 1280 : i32
      %select_n3A_709 = arith.select %eq3A_707, %jit3A_708, %select_n3A_705 : i32
      %eq3A_710 = arith.constant 3 : i32
      %eq3A_711 = arith.cmpi eq, %add3A, %eq3A_710 : i32
      %jit3A_712 = arith.constant 1152 : i32
      %select_n3A_713 = arith.select %eq3A_711, %jit3A_712, %select_n3A_709 : i32
      %eq3A_714 = arith.constant 2 : i32
      %eq3A_715 = arith.cmpi eq, %add3A, %eq3A_714 : i32
      %jit3A_716 = arith.constant 1024 : i32
      %select_n3A_717 = arith.select %eq3A_715, %jit3A_716, %select_n3A_713 : i32
      %eq3A_718 = arith.constant 1 : i32
      %eq3A_719 = arith.cmpi eq, %add3A, %eq3A_718 : i32
      %jit3A_720 = arith.constant 896 : i32
      %select_n3A_721 = arith.select %eq3A_719, %jit3A_720, %select_n3A_717 : i32
      %eq3A_722 = arith.constant 0 : i32
      %eq3A_723 = arith.cmpi eq, %add3A, %eq3A_722 : i32
      %jit3A_724 = arith.constant 768 : i32
      %select_n3A_725 = arith.select %eq3A_723, %jit3A_724, %select_n3A_721 : i32
      %multiple_of3A_726 = tpu.assume_multiple %select_n3A_725, 128 : i32
      "tpu.region"() ({
        %run_scoped3A = tpu.sem_alloc : memref<!tpu.dma_semaphore, #tpu.memory_space<semaphore_mem>>
        %dma_start3A_727 = arith.constant 0 : i32
        %dma_start3A_728 = tpu.memref_slice %arg9[%multiple_of3A_726, %dma_start3A_727] : memref<15360x512xf32, #tpu.memory_space<hbm>> -> memref<128x512xf32, #tpu.memory_space<hbm>>
        %dma_start3A_729 = arith.constant 0 : i32
        %dma_start3A_730 = tpu.memref_slice %arg9[%multiple_of3A_726, %dma_start3A_729] : memref<15360x512xf32, #tpu.memory_space<hbm>> -> memref<128x512xf32, #tpu.memory_space<hbm>>
        tpu.enqueue_dma source(%arg12 : memref<128x512xf32, #tpu.memory_space<vmem>>) target(%dma_start3A_730 : memref<128x512xf32, #tpu.memory_space<hbm>>) target_semaphore(%run_scoped3A : memref<!tpu.dma_semaphore, #tpu.memory_space<semaphore_mem>>)
        %dma_wait3A_731 = arith.constant 0 : i32
        %dma_wait3A_732 = tpu.memref_slice %arg9[%multiple_of3A_726, %dma_wait3A_731] : memref<15360x512xf32, #tpu.memory_space<hbm>> -> memref<128x512xf32, #tpu.memory_space<hbm>>
        %dma_wait3A_733 = arith.constant 0 : i32
        %dma_wait3A_734 = tpu.memref_slice %arg9[%multiple_of3A_726, %dma_wait3A_733] : memref<15360x512xf32, #tpu.memory_space<hbm>> -> memref<128x512xf32, #tpu.memory_space<hbm>>
        tpu.wait_dma2 semaphore(%run_scoped3A : memref<!tpu.dma_semaphore, #tpu.memory_space<semaphore_mem>>) src(%arg12 : memref<128x512xf32, #tpu.memory_space<vmem>>) dst(%dma_wait3A_734 : memref<128x512xf32, #tpu.memory_space<hbm>>)
        tpu.yield
      }) : () -> ()
    } else {
    }
    %mul3A_253 = arith.constant 128 : i32
    %mul3A_254 = arith.muli %add3A, %mul3A_253 : i32
    "tpu.region"() ({
      %run_scoped3A = tpu.sem_alloc : memref<!tpu.dma_semaphore, #tpu.memory_space<semaphore_mem>>
      %dma_start3A_539 = tpu.memref_slice %arg4[%mul3A_254] : memref<4096xi32, #tpu.memory_space<hbm>> -> memref<128xi32, #tpu.memory_space<hbm>>
      %dma_start3A_540 = tpu.memref_slice %arg4[%mul3A_254] : memref<4096xi32, #tpu.memory_space<hbm>> -> memref<128xi32, #tpu.memory_space<hbm>>
      tpu.enqueue_dma source(%dma_start3A_540 : memref<128xi32, #tpu.memory_space<hbm>>) target(%arg11 : memref<128xi32, #tpu.memory_space<vmem>>) target_semaphore(%run_scoped3A : memref<!tpu.dma_semaphore, #tpu.memory_space<semaphore_mem>>)
      %dma_wait3A_541 = tpu.memref_slice %arg4[%mul3A_254] : memref<4096xi32, #tpu.memory_space<hbm>> -> memref<128xi32, #tpu.memory_space<hbm>>
      %dma_wait3A_542 = tpu.memref_slice %arg4[%mul3A_254] : memref<4096xi32, #tpu.memory_space<hbm>> -> memref<128xi32, #tpu.memory_space<hbm>>
      tpu.wait_dma2 semaphore(%run_scoped3A : memref<!tpu.dma_semaphore, #tpu.memory_space<semaphore_mem>>) src(%dma_wait3A_542 : memref<128xi32, #tpu.memory_space<hbm>>) dst(%arg11 : memref<128xi32, #tpu.memory_space<vmem>>)
      tpu.yield
    }) : () -> ()
    %dma_start3A = arith.constant 0 : i32
    %dma_start3A_255 = arith.constant 0 : i32
    %dma_start3A_256 = tpu.memref_slice %arg2[%dma_start3A, %dma_start3A_255] : memref<1000x512xf32, #tpu.memory_space<hbm>> -> memref<1000x512xf32, #tpu.memory_space<hbm>>
    tpu.enqueue_indirect_dma source(%dma_start3A_256 : memref<1000x512xf32, #tpu.memory_space<hbm>>) target(%arg12 : memref<128x512xf32, #tpu.memory_space<vmem>>) offsets(%arg11 : memref<128xi32, #tpu.memory_space<vmem>>) semaphore(%arg15 : memref<!tpu.dma_semaphore, #tpu.memory_space<semaphore_mem>>)
    %dma_wait3A = arith.constant 0 : i32
    %dma_wait3A_257 = arith.constant 0 : i32
    %dma_wait3A_258 = tpu.memref_slice %arg2[%dma_wait3A, %dma_wait3A_257] : memref<1000x512xf32, #tpu.memory_space<hbm>> -> memref<1000x512xf32, #tpu.memory_space<hbm>>
    tpu.wait_indirect_dma semaphore(%arg15 : memref<!tpu.dma_semaphore, #tpu.memory_space<semaphore_mem>>) src(%dma_wait3A_258 : memref<1000x512xf32, #tpu.memory_space<hbm>>) dst(%arg12 : memref<128x512xf32, #tpu.memory_space<vmem>>)
    %eq3A_259 = arith.constant 30 : i32
    %eq3A_260 = arith.cmpi eq, %add3A, %eq3A_259 : i32
    %jit3A_261 = arith.constant 13824 : i32
    %jit3A_262 = arith.constant 13952 : i32
    %select_n3A_263 = arith.select %eq3A_260, %jit3A_261, %jit3A_262 : i32
    %eq3A_264 = arith.constant 29 : i32
    %eq3A_265 = arith.cmpi eq, %add3A, %eq3A_264 : i32
    %jit3A_266 = arith.constant 13696 : i32
    %select_n3A_267 = arith.select %eq3A_265, %jit3A_266, %select_n3A_263 : i32
    %eq3A_268 = arith.constant 28 : i32
    %eq3A_269 = arith.cmpi eq, %add3A, %eq3A_268 : i32
    %jit3A_270 = arith.constant 13568 : i32
    %select_n3A_271 = arith.select %eq3A_269, %jit3A_270, %select_n3A_267 : i32
    %eq3A_272 = arith.constant 27 : i32
    %eq3A_273 = arith.cmpi eq, %add3A, %eq3A_272 : i32
    %jit3A_274 = arith.constant 13440 : i32
    %select_n3A_275 = arith.select %eq3A_273, %jit3A_274, %select_n3A_271 : i32
    %eq3A_276 = arith.constant 26 : i32
    %eq3A_277 = arith.cmpi eq, %add3A, %eq3A_276 : i32
    %jit3A_278 = arith.constant 11904 : i32
    %select_n3A_279 = arith.select %eq3A_277, %jit3A_278, %select_n3A_275 : i32
    %eq3A_280 = arith.constant 25 : i32
    %eq3A_281 = arith.cmpi eq, %add3A, %eq3A_280 : i32
    %jit3A_282 = arith.constant 11776 : i32
    %select_n3A_283 = arith.select %eq3A_281, %jit3A_282, %select_n3A_279 : i32
    %eq3A_284 = arith.constant 24 : i32
    %eq3A_285 = arith.cmpi eq, %add3A, %eq3A_284 : i32
    %jit3A_286 = arith.constant 11648 : i32
    %select_n3A_287 = arith.select %eq3A_285, %jit3A_286, %select_n3A_283 : i32
    %eq3A_288 = arith.constant 23 : i32
    %eq3A_289 = arith.cmpi eq, %add3A, %eq3A_288 : i32
    %jit3A_290 = arith.constant 11520 : i32
    %select_n3A_291 = arith.select %eq3A_289, %jit3A_290, %select_n3A_287 : i32
    %eq3A_292 = arith.constant 22 : i32
    %eq3A_293 = arith.cmpi eq, %add3A, %eq3A_292 : i32
    %jit3A_294 = arith.constant 10112 : i32
    %select_n3A_295 = arith.select %eq3A_293, %jit3A_294, %select_n3A_291 : i32
    %eq3A_296 = arith.constant 21 : i32
    %eq3A_297 = arith.cmpi eq, %add3A, %eq3A_296 : i32
    %jit3A_298 = arith.constant 9984 : i32
    %select_n3A_299 = arith.select %eq3A_297, %jit3A_298, %select_n3A_295 : i32
    %eq3A_300 = arith.constant 20 : i32
    %eq3A_301 = arith.cmpi eq, %add3A, %eq3A_300 : i32
    %jit3A_302 = arith.constant 9856 : i32
    %select_n3A_303 = arith.select %eq3A_301, %jit3A_302, %select_n3A_299 : i32
    %eq3A_304 = arith.constant 19 : i32
    %eq3A_305 = arith.cmpi eq, %add3A, %eq3A_304 : i32
    %jit3A_306 = arith.constant 9728 : i32
    %select_n3A_307 = arith.select %eq3A_305, %jit3A_306, %select_n3A_303 : i32
    %eq3A_308 = arith.constant 18 : i32
    %eq3A_309 = arith.cmpi eq, %add3A, %eq3A_308 : i32
    %jit3A_310 = arith.constant 9600 : i32
    %select_n3A_311 = arith.select %eq3A_309, %jit3A_310, %select_n3A_307 : i32
    %eq3A_312 = arith.constant 17 : i32
    %eq3A_313 = arith.cmpi eq, %add3A, %eq3A_312 : i32
    %jit3A_314 = arith.constant 8064 : i32
    %select_n3A_315 = arith.select %eq3A_313, %jit3A_314, %select_n3A_311 : i32
    %eq3A_316 = arith.constant 16 : i32
    %eq3A_317 = arith.cmpi eq, %add3A, %eq3A_316 : i32
    %jit3A_318 = arith.constant 7936 : i32
    %select_n3A_319 = arith.select %eq3A_317, %jit3A_318, %select_n3A_315 : i32
    %eq3A_320 = arith.constant 15 : i32
    %eq3A_321 = arith.cmpi eq, %add3A, %eq3A_320 : i32
    %jit3A_322 = arith.constant 7808 : i32
    %select_n3A_323 = arith.select %eq3A_321, %jit3A_322, %select_n3A_319 : i32
    %eq3A_324 = arith.constant 14 : i32
    %eq3A_325 = arith.cmpi eq, %add3A, %eq3A_324 : i32
    %jit3A_326 = arith.constant 7680 : i32
    %select_n3A_327 = arith.select %eq3A_325, %jit3A_326, %select_n3A_323 : i32
    %eq3A_328 = arith.constant 13 : i32
    %eq3A_329 = arith.cmpi eq, %add3A, %eq3A_328 : i32
    %jit3A_330 = arith.constant 6272 : i32
    %select_n3A_331 = arith.select %eq3A_329, %jit3A_330, %select_n3A_327 : i32
    %eq3A_332 = arith.constant 12 : i32
    %eq3A_333 = arith.cmpi eq, %add3A, %eq3A_332 : i32
    %jit3A_334 = arith.constant 6144 : i32
    %select_n3A_335 = arith.select %eq3A_333, %jit3A_334, %select_n3A_331 : i32
    %eq3A_336 = arith.constant 11 : i32
    %eq3A_337 = arith.cmpi eq, %add3A, %eq3A_336 : i32
    %jit3A_338 = arith.constant 6016 : i32
    %select_n3A_339 = arith.select %eq3A_337, %jit3A_338, %select_n3A_335 : i32
    %eq3A_340 = arith.constant 10 : i32
    %eq3A_341 = arith.cmpi eq, %add3A, %eq3A_340 : i32
    %jit3A_342 = arith.constant 5888 : i32
    %select_n3A_343 = arith.select %eq3A_341, %jit3A_342, %select_n3A_339 : i32
    %eq3A_344 = arith.constant 9 : i32
    %eq3A_345 = arith.cmpi eq, %add3A, %eq3A_344 : i32
    %jit3A_346 = arith.constant 5760 : i32
    %select_n3A_347 = arith.select %eq3A_345, %jit3A_346, %select_n3A_343 : i32
    %eq3A_348 = arith.constant 8 : i32
    %eq3A_349 = arith.cmpi eq, %add3A, %eq3A_348 : i32
    %jit3A_350 = arith.constant 4224 : i32
    %select_n3A_351 = arith.select %eq3A_349, %jit3A_350, %select_n3A_347 : i32
    %eq3A_352 = arith.constant 7 : i32
    %eq3A_353 = arith.cmpi eq, %add3A, %eq3A_352 : i32
    %jit3A_354 = arith.constant 4096 : i32
    %select_n3A_355 = arith.select %eq3A_353, %jit3A_354, %select_n3A_351 : i32
    %eq3A_356 = arith.constant 6 : i32
    %eq3A_357 = arith.cmpi eq, %add3A, %eq3A_356 : i32
    %jit3A_358 = arith.constant 3968 : i32
    %select_n3A_359 = arith.select %eq3A_357, %jit3A_358, %select_n3A_355 : i32
    %eq3A_360 = arith.constant 5 : i32
    %eq3A_361 = arith.cmpi eq, %add3A, %eq3A_360 : i32
    %jit3A_362 = arith.constant 3840 : i32
    %select_n3A_363 = arith.select %eq3A_361, %jit3A_362, %select_n3A_359 : i32
    %eq3A_364 = arith.constant 4 : i32
    %eq3A_365 = arith.cmpi eq, %add3A, %eq3A_364 : i32
    %jit3A_366 = arith.constant 2176 : i32
    %select_n3A_367 = arith.select %eq3A_365, %jit3A_366, %select_n3A_363 : i32
    %eq3A_368 = arith.constant 3 : i32
    %eq3A_369 = arith.cmpi eq, %add3A, %eq3A_368 : i32
    %jit3A_370 = arith.constant 2048 : i32
    %select_n3A_371 = arith.select %eq3A_369, %jit3A_370, %select_n3A_367 : i32
    %eq3A_372 = arith.constant 2 : i32
    %eq3A_373 = arith.cmpi eq, %add3A, %eq3A_372 : i32
    %jit3A_374 = arith.constant 1920 : i32
    %select_n3A_375 = arith.select %eq3A_373, %jit3A_374, %select_n3A_371 : i32
    %eq3A_376 = arith.constant 1 : i32
    %eq3A_377 = arith.cmpi eq, %add3A, %eq3A_376 : i32
    %jit3A_378 = arith.constant 128 : i32
    %select_n3A_379 = arith.select %eq3A_377, %jit3A_378, %select_n3A_375 : i32
    %eq3A_380 = arith.constant 0 : i32
    %eq3A_381 = arith.cmpi eq, %add3A, %eq3A_380 : i32
    %jit3A_382 = arith.constant 0 : i32
    %select_n3A_383 = arith.select %eq3A_381, %jit3A_382, %select_n3A_379 : i32
    %multiple_of3A_384 = tpu.assume_multiple %select_n3A_383, 128 : i32
    "tpu.region"() ({
      %run_scoped3A = tpu.sem_alloc : memref<!tpu.dma_semaphore, #tpu.memory_space<semaphore_mem>>
      %dma_start3A_539 = arith.constant 0 : i32
      %dma_start3A_540 = tpu.memref_slice %arg9[%multiple_of3A_384, %dma_start3A_539] : memref<15360x512xf32, #tpu.memory_space<hbm>> -> memref<128x512xf32, #tpu.memory_space<hbm>>
      %dma_start3A_541 = arith.constant 0 : i32
      %dma_start3A_542 = tpu.memref_slice %arg9[%multiple_of3A_384, %dma_start3A_541] : memref<15360x512xf32, #tpu.memory_space<hbm>> -> memref<128x512xf32, #tpu.memory_space<hbm>>
      tpu.enqueue_dma source(%arg12 : memref<128x512xf32, #tpu.memory_space<vmem>>) target(%dma_start3A_542 : memref<128x512xf32, #tpu.memory_space<hbm>>) target_semaphore(%run_scoped3A : memref<!tpu.dma_semaphore, #tpu.memory_space<semaphore_mem>>)
      %dma_wait3A_543 = arith.constant 0 : i32
      %dma_wait3A_544 = tpu.memref_slice %arg9[%multiple_of3A_384, %dma_wait3A_543] : memref<15360x512xf32, #tpu.memory_space<hbm>> -> memref<128x512xf32, #tpu.memory_space<hbm>>
      %dma_wait3A_545 = arith.constant 0 : i32
      %dma_wait3A_546 = tpu.memref_slice %arg9[%multiple_of3A_384, %dma_wait3A_545] : memref<15360x512xf32, #tpu.memory_space<hbm>> -> memref<128x512xf32, #tpu.memory_space<hbm>>
      tpu.wait_dma2 semaphore(%run_scoped3A : memref<!tpu.dma_semaphore, #tpu.memory_space<semaphore_mem>>) src(%arg12 : memref<128x512xf32, #tpu.memory_space<vmem>>) dst(%dma_wait3A_546 : memref<128x512xf32, #tpu.memory_space<hbm>>)
      tpu.yield
    }) : () -> ()
    %eq3A_385 = arith.constant 30 : i32
    %eq3A_386 = arith.cmpi eq, %add3A, %eq3A_385 : i32
    %jit3A_387 = arith.constant 14848 : i32
    %jit3A_388 = arith.constant 15104 : i32
    %select_n3A_389 = arith.select %eq3A_386, %jit3A_387, %jit3A_388 : i32
    %eq3A_390 = arith.constant 29 : i32
    %eq3A_391 = arith.cmpi eq, %add3A, %eq3A_390 : i32
    %jit3A_392 = arith.constant 14592 : i32
    %select_n3A_393 = arith.select %eq3A_391, %jit3A_392, %select_n3A_389 : i32
    %eq3A_394 = arith.constant 28 : i32
    %eq3A_395 = arith.cmpi eq, %add3A, %eq3A_394 : i32
    %jit3A_396 = arith.constant 14336 : i32
    %select_n3A_397 = arith.select %eq3A_395, %jit3A_396, %select_n3A_393 : i32
    %eq3A_398 = arith.constant 27 : i32
    %eq3A_399 = arith.cmpi eq, %add3A, %eq3A_398 : i32
    %jit3A_400 = arith.constant 14080 : i32
    %select_n3A_401 = arith.select %eq3A_399, %jit3A_400, %select_n3A_397 : i32
    %eq3A_402 = arith.constant 26 : i32
    %eq3A_403 = arith.cmpi eq, %add3A, %eq3A_402 : i32
    %jit3A_404 = arith.constant 12800 : i32
    %select_n3A_405 = arith.select %eq3A_403, %jit3A_404, %select_n3A_401 : i32
    %eq3A_406 = arith.constant 25 : i32
    %eq3A_407 = arith.cmpi eq, %add3A, %eq3A_406 : i32
    %jit3A_408 = arith.constant 12544 : i32
    %select_n3A_409 = arith.select %eq3A_407, %jit3A_408, %select_n3A_405 : i32
    %eq3A_410 = arith.constant 24 : i32
    %eq3A_411 = arith.cmpi eq, %add3A, %eq3A_410 : i32
    %jit3A_412 = arith.constant 12288 : i32
    %select_n3A_413 = arith.select %eq3A_411, %jit3A_412, %select_n3A_409 : i32
    %eq3A_414 = arith.constant 23 : i32
    %eq3A_415 = arith.cmpi eq, %add3A, %eq3A_414 : i32
    %jit3A_416 = arith.constant 12032 : i32
    %select_n3A_417 = arith.select %eq3A_415, %jit3A_416, %select_n3A_413 : i32
    %eq3A_418 = arith.constant 22 : i32
    %eq3A_419 = arith.cmpi eq, %add3A, %eq3A_418 : i32
    %jit3A_420 = arith.constant 11264 : i32
    %select_n3A_421 = arith.select %eq3A_419, %jit3A_420, %select_n3A_417 : i32
    %eq3A_422 = arith.constant 21 : i32
    %eq3A_423 = arith.cmpi eq, %add3A, %eq3A_422 : i32
    %jit3A_424 = arith.constant 11008 : i32
    %select_n3A_425 = arith.select %eq3A_423, %jit3A_424, %select_n3A_421 : i32
    %eq3A_426 = arith.constant 20 : i32
    %eq3A_427 = arith.cmpi eq, %add3A, %eq3A_426 : i32
    %jit3A_428 = arith.constant 10752 : i32
    %select_n3A_429 = arith.select %eq3A_427, %jit3A_428, %select_n3A_425 : i32
    %eq3A_430 = arith.constant 19 : i32
    %eq3A_431 = arith.cmpi eq, %add3A, %eq3A_430 : i32
    %jit3A_432 = arith.constant 10496 : i32
    %select_n3A_433 = arith.select %eq3A_431, %jit3A_432, %select_n3A_429 : i32
    %eq3A_434 = arith.constant 18 : i32
    %eq3A_435 = arith.cmpi eq, %add3A, %eq3A_434 : i32
    %jit3A_436 = arith.constant 10240 : i32
    %select_n3A_437 = arith.select %eq3A_435, %jit3A_436, %select_n3A_433 : i32
    %eq3A_438 = arith.constant 17 : i32
    %eq3A_439 = arith.cmpi eq, %add3A, %eq3A_438 : i32
    %jit3A_440 = arith.constant 8960 : i32
    %select_n3A_441 = arith.select %eq3A_439, %jit3A_440, %select_n3A_437 : i32
    %eq3A_442 = arith.constant 16 : i32
    %eq3A_443 = arith.cmpi eq, %add3A, %eq3A_442 : i32
    %jit3A_444 = arith.constant 8704 : i32
    %select_n3A_445 = arith.select %eq3A_443, %jit3A_444, %select_n3A_441 : i32
    %eq3A_446 = arith.constant 15 : i32
    %eq3A_447 = arith.cmpi eq, %add3A, %eq3A_446 : i32
    %jit3A_448 = arith.constant 8448 : i32
    %select_n3A_449 = arith.select %eq3A_447, %jit3A_448, %select_n3A_445 : i32
    %eq3A_450 = arith.constant 14 : i32
    %eq3A_451 = arith.cmpi eq, %add3A, %eq3A_450 : i32
    %jit3A_452 = arith.constant 8192 : i32
    %select_n3A_453 = arith.select %eq3A_451, %jit3A_452, %select_n3A_449 : i32
    %eq3A_454 = arith.constant 13 : i32
    %eq3A_455 = arith.cmpi eq, %add3A, %eq3A_454 : i32
    %jit3A_456 = arith.constant 7424 : i32
    %select_n3A_457 = arith.select %eq3A_455, %jit3A_456, %select_n3A_453 : i32
    %eq3A_458 = arith.constant 12 : i32
    %eq3A_459 = arith.cmpi eq, %add3A, %eq3A_458 : i32
    %jit3A_460 = arith.constant 7168 : i32
    %select_n3A_461 = arith.select %eq3A_459, %jit3A_460, %select_n3A_457 : i32
    %eq3A_462 = arith.constant 11 : i32
    %eq3A_463 = arith.cmpi eq, %add3A, %eq3A_462 : i32
    %jit3A_464 = arith.constant 6912 : i32
    %select_n3A_465 = arith.select %eq3A_463, %jit3A_464, %select_n3A_461 : i32
    %eq3A_466 = arith.constant 10 : i32
    %eq3A_467 = arith.cmpi eq, %add3A, %eq3A_466 : i32
    %jit3A_468 = arith.constant 6656 : i32
    %select_n3A_469 = arith.select %eq3A_467, %jit3A_468, %select_n3A_465 : i32
    %eq3A_470 = arith.constant 9 : i32
    %eq3A_471 = arith.cmpi eq, %add3A, %eq3A_470 : i32
    %jit3A_472 = arith.constant 6400 : i32
    %select_n3A_473 = arith.select %eq3A_471, %jit3A_472, %select_n3A_469 : i32
    %eq3A_474 = arith.constant 8 : i32
    %eq3A_475 = arith.cmpi eq, %add3A, %eq3A_474 : i32
    %jit3A_476 = arith.constant 5120 : i32
    %select_n3A_477 = arith.select %eq3A_475, %jit3A_476, %select_n3A_473 : i32
    %eq3A_478 = arith.constant 7 : i32
    %eq3A_479 = arith.cmpi eq, %add3A, %eq3A_478 : i32
    %jit3A_480 = arith.constant 4864 : i32
    %select_n3A_481 = arith.select %eq3A_479, %jit3A_480, %select_n3A_477 : i32
    %eq3A_482 = arith.constant 6 : i32
    %eq3A_483 = arith.cmpi eq, %add3A, %eq3A_482 : i32
    %jit3A_484 = arith.constant 4608 : i32
    %select_n3A_485 = arith.select %eq3A_483, %jit3A_484, %select_n3A_481 : i32
    %eq3A_486 = arith.constant 5 : i32
    %eq3A_487 = arith.cmpi eq, %add3A, %eq3A_486 : i32
    %jit3A_488 = arith.constant 4352 : i32
    %select_n3A_489 = arith.select %eq3A_487, %jit3A_488, %select_n3A_485 : i32
    %eq3A_490 = arith.constant 4 : i32
    %eq3A_491 = arith.cmpi eq, %add3A, %eq3A_490 : i32
    %jit3A_492 = arith.constant 2816 : i32
    %select_n3A_493 = arith.select %eq3A_491, %jit3A_492, %select_n3A_489 : i32
    %eq3A_494 = arith.constant 3 : i32
    %eq3A_495 = arith.cmpi eq, %add3A, %eq3A_494 : i32
    %jit3A_496 = arith.constant 2560 : i32
    %select_n3A_497 = arith.select %eq3A_495, %jit3A_496, %select_n3A_493 : i32
    %eq3A_498 = arith.constant 2 : i32
    %eq3A_499 = arith.cmpi eq, %add3A, %eq3A_498 : i32
    %jit3A_500 = arith.constant 2304 : i32
    %select_n3A_501 = arith.select %eq3A_499, %jit3A_500, %select_n3A_497 : i32
    %eq3A_502 = arith.constant 1 : i32
    %eq3A_503 = arith.cmpi eq, %add3A, %eq3A_502 : i32
    %jit3A_504 = arith.constant 512 : i32
    %select_n3A_505 = arith.select %eq3A_503, %jit3A_504, %select_n3A_501 : i32
    %eq3A_506 = arith.constant 0 : i32
    %eq3A_507 = arith.cmpi eq, %add3A, %eq3A_506 : i32
    %jit3A_508 = arith.constant 256 : i32
    %select_n3A_509 = arith.select %eq3A_507, %jit3A_508, %select_n3A_505 : i32
    %multiple_of3A_510 = tpu.assume_multiple %select_n3A_509, 256 : i32
    %mul3A_511 = arith.constant 2 : i32
    %mul3A_512 = arith.muli %mul3A_511, %add3A : i32
    %add3A_513 = arith.constant 0 : i32
    %add3A_514 = arith.addi %mul3A_512, %add3A_513 : i32
    %mul3A_515 = arith.constant 128 : i32
    %mul3A_516 = arith.muli %add3A_514, %mul3A_515 : i32
    "tpu.region"() ({
      %run_scoped3A = tpu.sem_alloc : memref<!tpu.dma_semaphore, #tpu.memory_space<semaphore_mem>>
      %dma_start3A_539 = tpu.memref_slice %arg5[%mul3A_516] : memref<8192xi32, #tpu.memory_space<hbm>> -> memref<128xi32, #tpu.memory_space<hbm>>
      %dma_start3A_540 = tpu.memref_slice %arg5[%mul3A_516] : memref<8192xi32, #tpu.memory_space<hbm>> -> memref<128xi32, #tpu.memory_space<hbm>>
      tpu.enqueue_dma source(%dma_start3A_540 : memref<128xi32, #tpu.memory_space<hbm>>) target(%arg11 : memref<128xi32, #tpu.memory_space<vmem>>) target_semaphore(%run_scoped3A : memref<!tpu.dma_semaphore, #tpu.memory_space<semaphore_mem>>)
      %dma_wait3A_541 = tpu.memref_slice %arg5[%mul3A_516] : memref<8192xi32, #tpu.memory_space<hbm>> -> memref<128xi32, #tpu.memory_space<hbm>>
      %dma_wait3A_542 = tpu.memref_slice %arg5[%mul3A_516] : memref<8192xi32, #tpu.memory_space<hbm>> -> memref<128xi32, #tpu.memory_space<hbm>>
      tpu.wait_dma2 semaphore(%run_scoped3A : memref<!tpu.dma_semaphore, #tpu.memory_space<semaphore_mem>>) src(%dma_wait3A_542 : memref<128xi32, #tpu.memory_space<hbm>>) dst(%arg11 : memref<128xi32, #tpu.memory_space<vmem>>)
      tpu.yield
    }) : () -> ()
    %dma_start3A_517 = arith.constant 0 : i32
    %dma_start3A_518 = arith.constant 0 : i32
    %dma_start3A_519 = tpu.memref_slice %arg3[%dma_start3A_517, %dma_start3A_518] : memref<100000x512xf32, #tpu.memory_space<hbm>> -> memref<100000x512xf32, #tpu.memory_space<hbm>>
    tpu.enqueue_indirect_dma source(%dma_start3A_519 : memref<100000x512xf32, #tpu.memory_space<hbm>>) target(%arg12 : memref<128x512xf32, #tpu.memory_space<vmem>>) offsets(%arg11 : memref<128xi32, #tpu.memory_space<vmem>>) semaphore(%arg15 : memref<!tpu.dma_semaphore, #tpu.memory_space<semaphore_mem>>)
    %dma_wait3A_520 = arith.constant 0 : i32
    %dma_wait3A_521 = arith.constant 0 : i32
    %dma_wait3A_522 = tpu.memref_slice %arg3[%dma_wait3A_520, %dma_wait3A_521] : memref<100000x512xf32, #tpu.memory_space<hbm>> -> memref<100000x512xf32, #tpu.memory_space<hbm>>
    tpu.wait_indirect_dma semaphore(%arg15 : memref<!tpu.dma_semaphore, #tpu.memory_space<semaphore_mem>>) src(%dma_wait3A_522 : memref<100000x512xf32, #tpu.memory_space<hbm>>) dst(%arg12 : memref<128x512xf32, #tpu.memory_space<vmem>>)
    %add3A_523 = arith.constant 0 : i32
    %add3A_524 = arith.addi %multiple_of3A_510, %add3A_523 : i32
    "tpu.region"() ({
      %run_scoped3A = tpu.sem_alloc : memref<!tpu.dma_semaphore, #tpu.memory_space<semaphore_mem>>
      %dma_start3A_539 = arith.constant 0 : i32
      %dma_start3A_540 = tpu.memref_slice %arg9[%add3A_524, %dma_start3A_539] : memref<15360x512xf32, #tpu.memory_space<hbm>> -> memref<128x512xf32, #tpu.memory_space<hbm>>
      %dma_start3A_541 = arith.constant 0 : i32
      %dma_start3A_542 = tpu.memref_slice %arg9[%add3A_524, %dma_start3A_541] : memref<15360x512xf32, #tpu.memory_space<hbm>> -> memref<128x512xf32, #tpu.memory_space<hbm>>
      tpu.enqueue_dma source(%arg12 : memref<128x512xf32, #tpu.memory_space<vmem>>) target(%dma_start3A_542 : memref<128x512xf32, #tpu.memory_space<hbm>>) target_semaphore(%run_scoped3A : memref<!tpu.dma_semaphore, #tpu.memory_space<semaphore_mem>>)
      %dma_wait3A_543 = arith.constant 0 : i32
      %dma_wait3A_544 = tpu.memref_slice %arg9[%add3A_524, %dma_wait3A_543] : memref<15360x512xf32, #tpu.memory_space<hbm>> -> memref<128x512xf32, #tpu.memory_space<hbm>>
      %dma_wait3A_545 = arith.constant 0 : i32
      %dma_wait3A_546 = tpu.memref_slice %arg9[%add3A_524, %dma_wait3A_545] : memref<15360x512xf32, #tpu.memory_space<hbm>> -> memref<128x512xf32, #tpu.memory_space<hbm>>
      tpu.wait_dma2 semaphore(%run_scoped3A : memref<!tpu.dma_semaphore, #tpu.memory_space<semaphore_mem>>) src(%arg12 : memref<128x512xf32, #tpu.memory_space<vmem>>) dst(%dma_wait3A_546 : memref<128x512xf32, #tpu.memory_space<hbm>>)
      tpu.yield
    }) : () -> ()
    %mul3A_525 = arith.constant 2 : i32
    %mul3A_526 = arith.muli %mul3A_525, %add3A : i32
    %add3A_527 = arith.constant 1 : i32
    %add3A_528 = arith.addi %mul3A_526, %add3A_527 : i32
    %mul3A_529 = arith.constant 128 : i32
    %mul3A_530 = arith.muli %add3A_528, %mul3A_529 : i32
    "tpu.region"() ({
      %run_scoped3A = tpu.sem_alloc : memref<!tpu.dma_semaphore, #tpu.memory_space<semaphore_mem>>
      %dma_start3A_539 = tpu.memref_slice %arg5[%mul3A_530] : memref<8192xi32, #tpu.memory_space<hbm>> -> memref<128xi32, #tpu.memory_space<hbm>>
      %dma_start3A_540 = tpu.memref_slice %arg5[%mul3A_530] : memref<8192xi32, #tpu.memory_space<hbm>> -> memref<128xi32, #tpu.memory_space<hbm>>
      tpu.enqueue_dma source(%dma_start3A_540 : memref<128xi32, #tpu.memory_space<hbm>>) target(%arg11 : memref<128xi32, #tpu.memory_space<vmem>>) target_semaphore(%run_scoped3A : memref<!tpu.dma_semaphore, #tpu.memory_space<semaphore_mem>>)
      %dma_wait3A_541 = tpu.memref_slice %arg5[%mul3A_530] : memref<8192xi32, #tpu.memory_space<hbm>> -> memref<128xi32, #tpu.memory_space<hbm>>
      %dma_wait3A_542 = tpu.memref_slice %arg5[%mul3A_530] : memref<8192xi32, #tpu.memory_space<hbm>> -> memref<128xi32, #tpu.memory_space<hbm>>
      tpu.wait_dma2 semaphore(%run_scoped3A : memref<!tpu.dma_semaphore, #tpu.memory_space<semaphore_mem>>) src(%dma_wait3A_542 : memref<128xi32, #tpu.memory_space<hbm>>) dst(%arg11 : memref<128xi32, #tpu.memory_space<vmem>>)
      tpu.yield
    }) : () -> ()
    %dma_start3A_531 = arith.constant 0 : i32
    %dma_start3A_532 = arith.constant 0 : i32
    %dma_start3A_533 = tpu.memref_slice %arg3[%dma_start3A_531, %dma_start3A_532] : memref<100000x512xf32, #tpu.memory_space<hbm>> -> memref<100000x512xf32, #tpu.memory_space<hbm>>
    tpu.enqueue_indirect_dma source(%dma_start3A_533 : memref<100000x512xf32, #tpu.memory_space<hbm>>) target(%arg12 : memref<128x512xf32, #tpu.memory_space<vmem>>) offsets(%arg11 : memref<128xi32, #tpu.memory_space<vmem>>) semaphore(%arg15 : memref<!tpu.dma_semaphore, #tpu.memory_space<semaphore_mem>>)
    %dma_wait3A_534 = arith.constant 0 : i32
    %dma_wait3A_535 = arith.constant 0 : i32
    %dma_wait3A_536 = tpu.memref_slice %arg3[%dma_wait3A_534, %dma_wait3A_535] : memref<100000x512xf32, #tpu.memory_space<hbm>> -> memref<100000x512xf32, #tpu.memory_space<hbm>>
    tpu.wait_indirect_dma semaphore(%arg15 : memref<!tpu.dma_semaphore, #tpu.memory_space<semaphore_mem>>) src(%dma_wait3A_536 : memref<100000x512xf32, #tpu.memory_space<hbm>>) dst(%arg12 : memref<128x512xf32, #tpu.memory_space<vmem>>)
    %add3A_537 = arith.constant 128 : i32
    %add3A_538 = arith.addi %multiple_of3A_510, %add3A_537 : i32
    "tpu.region"() ({
      %run_scoped3A = tpu.sem_alloc : memref<!tpu.dma_semaphore, #tpu.memory_space<semaphore_mem>>
      %dma_start3A_539 = arith.constant 0 : i32
      %dma_start3A_540 = tpu.memref_slice %arg9[%add3A_538, %dma_start3A_539] : memref<15360x512xf32, #tpu.memory_space<hbm>> -> memref<128x512xf32, #tpu.memory_space<hbm>>
      %dma_start3A_541 = arith.constant 0 : i32
      %dma_start3A_542 = tpu.memref_slice %arg9[%add3A_538, %dma_start3A_541] : memref<15360x512xf32, #tpu.memory_space<hbm>> -> memref<128x512xf32, #tpu.memory_space<hbm>>
      tpu.enqueue_dma source(%arg12 : memref<128x512xf32, #tpu.memory_space<vmem>>) target(%dma_start3A_542 : memref<128x512xf32, #tpu.memory_space<hbm>>) target_semaphore(%run_scoped3A : memref<!tpu.dma_semaphore, #tpu.memory_space<semaphore_mem>>)
      %dma_wait3A_543 = arith.constant 0 : i32
      %dma_wait3A_544 = tpu.memref_slice %arg9[%add3A_538, %dma_wait3A_543] : memref<15360x512xf32, #tpu.memory_space<hbm>> -> memref<128x512xf32, #tpu.memory_space<hbm>>
      %dma_wait3A_545 = arith.constant 0 : i32
      %dma_wait3A_546 = tpu.memref_slice %arg9[%add3A_538, %dma_wait3A_545] : memref<15360x512xf32, #tpu.memory_space<hbm>> -> memref<128x512xf32, #tpu.memory_space<hbm>>
      tpu.wait_dma2 semaphore(%run_scoped3A : memref<!tpu.dma_semaphore, #tpu.memory_space<semaphore_mem>>) src(%arg12 : memref<128x512xf32, #tpu.memory_space<vmem>>) dst(%dma_wait3A_546 : memref<128x512xf32, #tpu.memory_space<hbm>>)
      tpu.yield
    }) : () -> ()
    return
  }
}

</mosaic_0001>

<sc_bundles>
// kernel: kernel.3.cloned.1.call-start
scs
__scs_entry_jumppad:
0x0: {  	(pc) =	sbr.rel $0x88, $3  }
0x1: {  	(tag) =	ssettag $0x0;
	lr =	simm.s32 $0x1  }
0x2: {  	[smem:$0x3F9C] =	sst lr;
	_ =	strace $0xD0000000  }
0x3: {  	_ = 	snop  }
0x4: {  	_ = 	snop  }
0x5: {  	_ = 	snop  }
0x6: {  	_ = 	snop  }
0x7: {  	_ = 	snop  }
__scs_overlays_trampoline_lowered:
0x8: {  	[smem:$0x3FAB] =	sst s0  }
0x9: {  	[smem:$0x3FAC] =	sst s1  }
0xa: {  	[smem:$0x3FAD] =	sst s2  }
0xb: {  	[smem:$0x3FAE] =	sst s3  }
0xc: {  	[smem:$0x3FAF] =	sst s4  }
0xd: {  	[smem:$0x3FB0] =	sst s5  }
0xe: {  	[smem:$0x3FB1] =	sst s6  }
0xf: {  	[smem:$0x3FB2] =	sst s7  }
0x10: {  	[smem:$0x3FB3] =	sst s8  }
0x11: {  	[smem:$0x3FB4] =	sst s9;
	s0 =	simm.s32 @!p0 $0x0  }
0x12: {  	s1 =	sld [smem:$0x3F9A];
	s0 =	simm.s32 @p0 $0x1  }
0x13: {  	[smem:$0x3FB5] =	sst s0;
	s0 =	simm.s32 @!p1 $0x0  }
0x14: {  	s2 =	sld [smem:$0x3F99];
	s0 =	simm.s32 @p1 $0x1  }
0x15: {  	[smem:$0x3FB6] =	sst s0;
	s0 =	simm.s32 @!p2 $0x0  }
0x16: {  	s3 =	sld [smem:$0x3FDB];
	s0 =	simm.s32 @p2 $0x1  }
0x17: {  	s4 =	simm.s32 $0x1BF5;
	[smem:$0x3FB8] =	sst s0  }
0x18: {  	s0 =	sld [smem:$0x3F9B];
	_ =	swait.ge [sflag:s4], $0x0  }
0x19: {  	s7 =	sld [smem:$0x3F9C]  }
0x1a: {  	s8 =	sadd.s32 $0xFFFFE003, lr  }
0x1b: {  	s9 =	sadd.s32 $0xFFFFFEF7, lr;
	s5 =	simm.s32 $0xFFFFFFFF;
	p2 =	slt.u32 s8, $0xFFFFF086  }
0x1c: {  	p1 =	slt.u32 s9, $0xF7A;
	s5 =	simm.s32 @!p2 $0x0  }
0x1d: {  	s5 =	simm.s32 @p1 $0x1;
	p0 =	seq.s32 s7, s2  }
0x1e: {  	s7 =	smul.u32 @!p0 $0xF7A, s2;
	p2 =	seq.s32 @!p0 s5, $0x0  }
0x1f: {  	s9 =	smul.u32 $0xF7A, s1;
	s8 =	simm.s32 @!p0 $0x1BF5;
	p2 =	por !p2, p0  }
0x20: {  	[sflag:s8] =	ssyncset.s32 @!p0 $0xFFFFF086;
	s6 =	sadd.s32 @!p0 s3, s7;
	s7 =	simm.s32 @!p0 $0x108  }
0x21: {  	s3 =	sadd.s32 s3, s9;
	s6 =	sadd.s32 @!p0 $0x88, s6;
	s7 =	simm.s32 @p2 $0x1082  }
0x22: {  	[simem:s7], [sflag:s8] =	dma.local @!p0 [hbm:s6], $0xF7A  }
0x23: {  	s9 =	sor.u32 $0xD0000000, s2;
	s6 =	simm.s32 $0x108;
	_ =	swait.ge @!p0 [sflag:s8], $0x0  }
0x24: {  	s3 =	sadd.s32 $0x88, s3;
	s6 =	simm.s32 @!p1 $0x1082;
	[sflag:s4] =	ssyncset.s32 $0xFFFFF086  }
0x25: {  	[simem:s6], [sflag:s4] =	dma.local [hbm:s3], $0xF7A  }
0x26: {  	[smem:$0x3F9C] =	sst s1;
	(tag) =	ssettag s2;
	_ =	strace s9  }
0x27: {  	s1 =	sld [smem:$0x3FAC]  }
0x28: {  	s2 =	sld [smem:$0x3FAD]  }
0x29: {  	s4 =	sld [smem:$0x3FAF]  }
0x2a: {  	p0 =	seq.s32 s5, $0x0;
	s5 =	sld [smem:$0x3FB0]  }
0x2b: {  	s6 =	sld [smem:$0x3FB1]  }
0x2c: {  	s7 =	sld [smem:$0x3FB2]  }
0x2d: {  	s3 =	simm.s32 $0x108;
	s8 =	sld [smem:$0x3FB3]  }
0x2e: {  	s3 =	simm.s32 @!p0 $0x1082;
	s9 =	sld [smem:$0x3FB4]  }
0x2f: {  	lr =	sadd.s32 s0, s3;
	s0 =	sld [smem:$0x3FAB]  }
0x30: {  	s3 =	sld [smem:$0x3FAE]  }
0x31: {  	[smem:$0x3FB7] =	sst s10  }
0x32: {  	s10 =	sld [smem:$0x3FB5];
	_ =	sdelay $0x3  }
0x33: {  	p0 =	seq.s32 s10, $0x1;
	s10 =	sld [smem:$0x3FB7];
	_ =	sdelay $0x3  }
0x34: {  	[smem:$0x3FB7] =	sst s10  }
0x35: {  	s10 =	sld [smem:$0x3FB6];
	_ =	sdelay $0x3  }
0x36: {  	p1 =	seq.s32 s10, $0x1;
	s10 =	sld [smem:$0x3FB7];
	_ =	sdelay $0x3  }
0x37: {  	[smem:$0x3FB7] =	sst s10  }
0x38: {  	s10 =	sld [smem:$0x3FB8]  }
0x39: {  	_ = 	snop;
	(pc) =	sbr.ind lr, $3  }
0x3a: {  	_ = 	snop  }
0x3b: {  	_ = 	snop  }
0x3c: {  	p2 =	seq.s32 s10, $0x1;
	s10 =	sld [smem:$0x3FB7]  }
0x3d: {  	_ =	shalt  }
0x3e: {  	_ =	shalt  }
0x3f: {  	_ =	shalt  }
0x40: {  	_ =	shalt  }
0x41: {  	_ =	shalt  }
0x42: {  	_ =	shalt  }
0x43: {  	_ =	shalt  }
0x44: {  	_ =	shalt  }
0x45: {  	_ =	shalt  }
0x46: {  	_ =	shalt  }
0x47: {  	_ =	shalt  }
0x48: {  	_ =	shalt  }
0x49: {  	_ =	shalt  }
0x4a: {  	_ =	shalt  }
0x4b: {  	_ =	shalt  }
0x4c: {  	_ =	shalt  }
0x4d: {  	_ =	shalt  }
0x4e: {  	_ =	shalt  }
0x4f: {  	_ =	shalt  }
0x50: {  	_ =	shalt  }
0x51: {  	_ =	shalt  }
0x52: {  	_ =	shalt  }
0x53: {  	_ =	shalt  }
0x54: {  	_ =	shalt  }
0x55: {  	_ =	shalt  }
0x56: {  	_ =	shalt  }
0x57: {  	_ =	shalt  }
0x58: {  	_ =	shalt  }
0x59: {  	_ =	shalt  }
0x5a: {  	_ =	shalt  }
0x5b: {  	_ =	shalt  }
0x5c: {  	_ =	shalt  }
0x5d: {  	_ =	shalt  }
0x5e: {  	_ =	shalt  }
0x5f: {  	_ =	shalt  }
0x60: {  	_ =	shalt  }
0x61: {  	_ =	shalt  }
0x62: {  	_ =	shalt  }
0x63: {  	_ =	shalt  }
0x64: {  	_ =	shalt  }
0x65: {  	_ =	shalt  }
0x66: {  	_ =	shalt  }
0x67: {  	_ =	shalt  }
0x68: {  	_ =	shalt  }
0x69: {  	_ =	shalt  }
0x6a: {  	_ =	shalt  }
0x6b: {  	_ =	shalt  }
0x6c: {  	_ =	shalt  }
0x6d: {  	_ =	shalt  }
0x6e: {  	_ =	shalt  }
0x6f: {  	_ =	shalt  }
0x70: {  	_ =	shalt  }
0x71: {  	_ =	shalt  }
0x72: {  	_ =	shalt  }
0x73: {  	_ =	shalt  }
0x74: {  	_ =	shalt  }
0x75: {  	_ =	shalt  }
0x76: {  	_ =	shalt  }
0x77: {  	_ =	shalt  }
0x78: {  	_ =	shalt  }
0x79: {  	_ =	shalt  }
0x7a: {  	_ =	shalt  }
0x7b: {  	_ =	shalt  }
0x7c: {  	_ =	shalt  }
0x7d: {  	_ =	shalt  }
0x7e: {  	_ =	shalt  }
0x7f: {  	_ =	shalt  }
0x80: {  	_ =	shalt  }
0x81: {  	_ =	shalt  }
0x82: {  	_ =	shalt  }
0x83: {  	_ =	shalt  }
0x84: {  	_ =	shalt  }
0x85: {  	_ =	shalt  }
0x86: {  	_ =	shalt  }
0x87: {  	_ =	shalt  }
.Lfunc_end0:
.L_simem_size_0:
called_computation_lowered:
.L_overlay_start_0:
0x88: {  	s2 =	sld [smem:$0x3FD9]  }
0x89: {  	s3 =	sld [smem:$0x3FFE];
	_ =	sdelay $0x1  }
0x8a: {  	s1 =	srdreg.scid  }
0x8b: {  	s0 =	sand.u32 $0x1, s1  }
0x8c: {  	s14 =	sshll.u32 s0, $0xA;
	s2 =	sadd.s32 s3, s2  }
0x8d: {  	s2 =	sadd.s32 s2, s14  }
0x8e: {  	[smem:$0x3FC3] =	sst s2  }
0x8f: {  	_ = 	snop  }
0x90: {  	s2 =	sld [smem:$0x3FC9]  }
0x91: {  	s15 =	sld [smem:$0x3FC8]  }
0x92: {  	s4 =	sld [smem:$0x3FD0]  }
0x93: {  	s5 =	sld [smem:$0x3FC7]  }
0x94: {  	s6 =	sld [smem:$0x3FC6]  }
0x95: {  	s8 =	simm.s32 $0xA;
	s9 =	simm.s32 $0x10;
	s7 =	sld [smem:$0x3FC5]  }
0x96: {  	[smem:s9], [sflag:s8] =	dma.local [hbm:s4], $0x1  }
0x97: {  	_ =	swait.eq [sflag:s8], $0x1  }
0x98: {  	[sflag:s8] =	ssyncset.done $0x0  }
0x99: {  	s16 =	sld [smem:$0x10];
	[sflag:s8] =	ssyncadd.s32 $0xFFFFFFFF  }
0x9a: {  	s17 =	sld [smem:$0x12];
	(tm) =	ssettm $0x1  }
0x9b: {  	s18 =	sld [smem:$0x3FFB];
	_ =	sdelay $0x3  }
0x9c: {  	_ =	strace s18  }
0x9d: {  	s9 =	sld [smem:$0x3FFC];
	_ =	sdelay $0x3  }
0x9e: {  	_ =	strace s9  }
0x9f: {  	s9 =	sld [smem:$0x3FFD];
	_ =	sdelay $0x3  }
0xa0: {  	_ =	strace s9  }
0xa1: {  	_ =	strace $0x8FFFFFFF  }
0xa2: {  	s19 =	sld [smem:$0x3FDB];
	_ =	sdelay $0x1  }
0xa3: {  	s10 =	simm.s32 $_scs_section_size  }
0xa4: {  	s11 =	simm.s32 $_size__tile_overlayer_lowered;
	s12 =	simm.s32 $_tile_overlayer_lowered  }
0xa5: {  	s22 =	simm.s32 $0x1BFF;
	s21 =	sshll.u32 s12, $0x1;
	s9 =	sadd.s32 s10, s19  }
0xa6: {  	s13 =	simm.s32 $0x0;
	s20 =	sshll.u32 s11, $0x1;
	s11 =	sadd.s32 s21, s9  }
0xa7: {  	[timem:s13], [sflag:s22] =	dma.local [hbm:s11], s20  }
0xa8: {  	_ =	swait.ge [sflag:s22], s20  }
0xa9: {  	s10 =	ssub.s32 $0x0, s20;
	[sflag:s22] =	ssyncset.done $0x0  }
0xaa: {  	[sflag:s22] =	ssyncadd.s32 s10;
	_ =	sdelay $0x1  }
0xab: {  	s23 =	simm.s32 $0x1B8B  }
0xac: {  	_ =	swait.ge [sflag:s23], $0x1  }
0xad: {  	[sflag:s23] =	ssyncset.done $0x0  }
0xae: {  	s25 =	simm.s32 $0x1B8E;
	s24 =	sld [smem:$0x3FFE];
	[sflag:s23] =	ssyncadd.s32 $0xFFFFFFFF  }
0xaf: {  	s26 =	simm.s32 $execute0_lowered;
	[smem:$0x3FD2] =	sst s25  }
0xb0: {  	s11 =	sshll.u32 s26, $0x1;
	_ =	strace $0x80000046;
	[dreg:$0x1] =	wrdreg $0xFFFFFFFF  }
0xb1: {  	s28 =	simm.s32 $_size_execute0_lowered;
	s9 =	sadd.s32 s9, s11;
	[dreg:$0x0] =	wrdreg $0x0  }
0xb2: {  	s11 =	sshll.u32 s28, $0x1;
	[dreg:$0x2] =	wrdreg s9  }
0xb3: {  	[dreg:$0x3] =	wrdreg s11  }
0xb4: {  	[dreg:$0x4] =	wrdreg $0xC0  }
0xb5: {  	_ =	task [dreg:s13], $0x5FFFF  }
0xb6: {  	[dreg:$0x1] =	wrdreg $0xFFFFFFFF  }
0xb7: {  	[dreg:$0x0] =	wrdreg $0x60  }
0xb8: {  	[dreg:$0x2] =	wrdreg s2  }
0xb9: {  	[dreg:$0x3] =	wrdreg s15  }
0xba: {  	[dreg:$0x4] =	wrdreg s5  }
0xbb: {  	[dreg:$0x5] =	wrdreg s6  }
0xbc: {  	[dreg:$0x6] =	wrdreg s7  }
0xbd: {  	[dreg:$0x7] =	wrdreg s24  }
0xbe: {  	[dreg:$0x8] =	wrdreg s17  }
0xbf: {  	[dreg:$0x9] =	wrdreg s16  }
0xc0: {  	[dreg:$0xa] =	wrdreg $0x9  }
0xc1: {  	_ =	task.clear_ibuf [dreg:s13], $0xBFFFF;
	_ =	strace $0x90000046  }
0xc2: {  	s29 =	simm.s32 $0x9;
	_ =	strace $0x80000048  }
0xc3: {  	_ =	swait.ge [sflag:s29], $0x1  }
0xc4: {  	[sflag:s29] =	ssyncadd.s32 $0xFFFFFFFF  }
0xc5: {  	_ =	strace $0x90000048  }
0xc6: {  	_ =	sfence  }
0xc7: {  	s30 =	sld [smem:$0x0];
	_ =	sdelay $0x2  }
0xc8: {  	s31 =	sshll.u32 s1, $0xD;
	s1 =	sshrl.u32 s1, $0x2  }
0xc9: {  	s3 =	sand.u32 $0x4000, s31;
	s1 =	sadd.s32 s1, s30  }
0xca: {  	s0 =	sor.u32 s3, s0;
	s1 =	sshll.u32 s1, $0x11  }
0xcb: {  	s0 =	sor.u32 s1, s0  }
0xcc: {  	s0 =	sadd.s32 $0x8F2B, s0  }
0xcd: {  	[sflag:s0] =	ssyncadd.remote.s32 $0x1  }
0xce: {  	_ =	sfence.sel $0xFFFF  }
0xcf: {  	[dreg:$0x0] =	wrdreg $0xFFFFFFFF;
	(pc) =	sbr.abs _section_cstart, $3  }
0xd0: {  	[dreg:$0x1] =	wrdreg $0xFFFFFFFF  }
0xd1: {  	_ =	task.clear_ibuf [dreg:s13], $0x2FFFF;
	_ =	strace $0x9FFFFFFF  }
0xd2: {  	(tm) =	ssettm $0x7FFFFFFF  }
0xd3: {  	_ =	shalt  }
tec
execute0_lowered:
.L_overlay_start_1:
0x0: {  	(tag) =	ssettag $0x1  }
0x1: {  	s1 =	rddreg [dreg:$0x0]  }
0x2: {  	s2 =	rddreg [dreg:$0x1]  }
0x3: {  	s11 =	rddreg [dreg:$0x2]  }
0x4: {  	s10 =	rddreg [dreg:$0x3]  }
0x5: {  	s0 =	srdreg.scid;
	s13 =	rddreg [dreg:$0x4]  }
0x6: {  	s17 =	stileid.u32;
	s14 =	rddreg [dreg:$0x5]  }
0x7: {  	s6 =	simm.s32 $0x1800;
	s5 =	simm.s32 $0x3600;
	s4 =	rddreg [dreg:$0x6]  }
0x8: {  	s9 =	simm.s32 $0x3600;
	s8 =	simm.s32 $0x3380;
	s12 =	rddreg [dreg:$0x7]  }
0x9: {  	s29 =	simm.s32 $0x2080;
	s30 =	simm.s32 $0x2880;
	s31 =	simm.s32 $0x3080  }
0xa: {  	s7 =	sand.u32 $0x1, s0;
	s23 =	sshll.u32 s17, $0x1;
	s0 =	simm.s32 $0x3A00  }
0xb: {  	[dreg:$0xa] =	wrdreg s4;
	s4 =	simm.s32 $0x0;
	s15 =	sadd.s32 $0xA00, s14  }
0xc: {  	s14 =	sadd.s32 $0x2A00, s14;
	s3 =	sor.u32 s7, s23;
	[smem:$0x7FF] =	sst s4  }
0xd: {  	s7 =	ssub.s32 $0x2, s7;
	s23 =	sadd.s32 $0x3FEA, s17;
	s17 =	simm.s32 $0x7880  }
0xe: {  	p5 =	seq.s32 s3, $0x1E;
	p6 =	seq.s32 s3, $0x1D;
	p0 =	seq.s32 s3, $0x1C  }
0xf: {  	p4 =	seq.s32 s3, $0x1B;
	p3 =	seq.s32 s3, $0x1A;
	p1 =	seq.s32 s3, $0x19  }
0x10: {  	p2 =	seq.s32 s3, $0x18;
	_ =	strace $0x80000047;
	[dreg:$0x9] =	wrdreg s15  }
0x11: {  	s24 =	sshrl.u32 s7, $0x1;
	s25 =	sshll.u32 s3, $0x5;
	[dreg:$0x17] =	wrdreg s23  }
0x12: {  	s23 =	simm.s32 $0x1;
	s15 =	simm.s32 $0x6880;
	s0 =	simm.s32 @!p5 $0x3B00  }
0x13: {  	s6 =	simm.s32 @!p5 $0x1880;
	s5 =	simm.s32 @!p5 $0x3680;
	p5 =	seq.s32 s3, $0x17  }
0x14: {  	s7 =	ssub.s32 s7, s24;
	s13 =	sadd.s32 s13, s25;
	s25 =	sadd.s32 s10, s25  }
0x15: {  	s10 =	simm.s32 $0x4880;
	s0 =	simm.s32 @p6 $0x3900;
	s6 =	simm.s32 @p6 $0x1780  }
0x16: {  	s5 =	simm.s32 @p6 $0x3580;
	[dreg:$0xb] =	wrdreg s13;
	s0 =	simm.s32 @p0 $0x3800  }
0x17: {  	s6 =	simm.s32 @p0 $0x1700;
	s5 =	simm.s32 @p0 $0x3500;
	p0 =	seq.s32 s3, $0x16  }
0x18: {  	s0 =	simm.s32 @p4 $0x3700;
	s6 =	simm.s32 @p4 $0x1680;
	s5 =	simm.s32 @p4 $0x3480  }
0x19: {  	p4 =	seq.s32 s3, $0x15;
	s9 =	simm.s32 @!p0 $0x3680;
	s8 =	simm.s32 @!p0 $0x3400  }
0x1a: {  	s0 =	simm.s32 @p3 $0x3200;
	s6 =	simm.s32 @p3 $0x1600;
	s5 =	simm.s32 @p3 $0x2E80  }
0x1b: {  	p3 =	seq.s32 s3, $0x14;
	s9 =	simm.s32 @p4 $0x3580;
	s8 =	simm.s32 @p4 $0x3300  }
0x1c: {  	s0 =	simm.s32 @p1 $0x3100;
	s6 =	simm.s32 @p1 $0x1580;
	s5 =	simm.s32 @p1 $0x2E00  }
0x1d: {  	p1 =	seq.s32 s3, $0x13;
	s9 =	simm.s32 @p3 $0x3500;
	s8 =	simm.s32 @p3 $0x2500  }
0x1e: {  	s0 =	simm.s32 @p2 $0x3000;
	s6 =	simm.s32 @p2 $0x1500;
	s5 =	simm.s32 @p2 $0x2D80  }
0x1f: {  	p2 =	seq.s32 s3, $0x11;
	s9 =	simm.s32 @p1 $0x3480;
	s8 =	simm.s32 @p1 $0x2480  }
0x20: {  	s0 =	simm.s32 @p5 $0x2F00;
	s6 =	simm.s32 @p5 $0x1080;
	s5 =	simm.s32 @p5 $0x2D00  }
0x21: {  	s0 =	simm.s32 @p0 $0x2C00;
	s6 =	simm.s32 @p0 $0x1000;
	s5 =	simm.s32 @p0 $0x2780  }
0x22: {  	p0 =	seq.s32 s3, $0x12;
	s0 =	simm.s32 @p4 $0x2B00;
	s6 =	simm.s32 @p4 $0xF80  }
0x23: {  	s5 =	simm.s32 @p4 $0x2700;
	s9 =	simm.s32 @p0 $0x3400;
	s8 =	simm.s32 @p0 $0x2400  }
0x24: {  	s0 =	simm.s32 @p3 $0x2A00;
	s6 =	simm.s32 @p3 $0xF00;
	s5 =	simm.s32 @p3 $0x2680  }
0x25: {  	s9 =	simm.s32 @p2 $0x3380;
	s8 =	simm.s32 @p2 $0x1600;
	s0 =	simm.s32 @p1 $0x2900  }
0x26: {  	s6 =	simm.s32 @p1 $0xE80;
	s5 =	simm.s32 @p1 $0x2600;
	p1 =	seq.s32 s3, $0x10  }
0x27: {  	s0 =	simm.s32 @p0 $0x2800;
	s6 =	simm.s32 @p0 $0xE00;
	s5 =	simm.s32 @p0 $0x2580  }
0x28: {  	p0 =	seq.s32 s3, $0xF;
	s9 =	simm.s32 @p1 $0x3300;
	s8 =	simm.s32 @p1 $0x1580  }
0x29: {  	s0 =	simm.s32 @p2 $0x2300;
	s6 =	simm.s32 @p2 $0xD80;
	s5 =	simm.s32 @p2 $0x1F80  }
0x2a: {  	s9 =	simm.s32 @p0 $0x2E80;
	s8 =	simm.s32 @p0 $0x1500;
	s0 =	simm.s32 @p1 $0x2200  }
0x2b: {  	s6 =	simm.s32 @p1 $0xD00;
	s5 =	simm.s32 @p1 $0x1F00;
	p1 =	seq.s32 s3, $0xE  }
0x2c: {  	s0 =	simm.s32 @p0 $0x2100;
	s6 =	simm.s32 @p0 $0xC80;
	s5 =	simm.s32 @p0 $0x1E80  }
0x2d: {  	p0 =	seq.s32 s3, $0xD;
	s9 =	simm.s32 @p1 $0x2E00;
	s8 =	simm.s32 @p1 $0xE80  }
0x2e: {  	s0 =	simm.s32 @p1 $0x2000;
	s6 =	simm.s32 @p1 $0xC00;
	s5 =	simm.s32 @p1 $0x1E00  }
0x2f: {  	p1 =	seq.s32 s3, $0xC;
	s9 =	simm.s32 @p0 $0x2D80;
	s8 =	simm.s32 @p0 $0xE00  }
0x30: {  	s0 =	simm.s32 @p0 $0x1D00;
	s6 =	simm.s32 @p0 $0x880;
	s5 =	simm.s32 @p0 $0x1880  }
0x31: {  	p0 =	seq.s32 s3, $0xB;
	s9 =	simm.s32 @p1 $0x2D00;
	s8 =	simm.s32 @p1 $0xD80  }
0x32: {  	s0 =	simm.s32 @p1 $0x1C00;
	s6 =	simm.s32 @p1 $0x800;
	s5 =	simm.s32 @p1 $0x1800  }
0x33: {  	p1 =	seq.s32 s3, $0xA;
	s9 =	simm.s32 @p0 $0x2780;
	s8 =	simm.s32 @p0 $0xD00  }
0x34: {  	s0 =	simm.s32 @p0 $0x1B00;
	s6 =	simm.s32 @p0 $0x780;
	s5 =	simm.s32 @p0 $0x1780  }
0x35: {  	p0 =	seq.s32 s3, $0x9;
	s9 =	simm.s32 @p1 $0x2700;
	s8 =	simm.s32 @p1 $0xC80  }
0x36: {  	s0 =	simm.s32 @p1 $0x1A00;
	s6 =	simm.s32 @p1 $0x700;
	s5 =	simm.s32 @p1 $0x1700  }
0x37: {  	p1 =	seq.s32 s3, $0x8;
	s9 =	simm.s32 @p0 $0x2680;
	s8 =	simm.s32 @p0 $0xC00  }
0x38: {  	s0 =	simm.s32 @p0 $0x1900;
	s6 =	simm.s32 @p0 $0x680;
	s5 =	simm.s32 @p0 $0x1680  }
0x39: {  	p0 =	seq.s32 s3, $0x7;
	s9 =	simm.s32 @p1 $0x2600;
	s8 =	simm.s32 @p1 $0x700  }
0x3a: {  	s0 =	simm.s32 @p1 $0x1400;
	s6 =	simm.s32 @p1 $0x600;
	s5 =	simm.s32 @p1 $0x1080  }
0x3b: {  	p1 =	seq.s32 s3, $0x6;
	s9 =	simm.s32 @p0 $0x2580;
	s8 =	simm.s32 @p0 $0x680  }
0x3c: {  	s0 =	simm.s32 @p0 $0x1300;
	s6 =	simm.s32 @p0 $0x580;
	s5 =	simm.s32 @p0 $0x1000  }
0x3d: {  	p0 =	seq.s32 s3, $0x5;
	s9 =	simm.s32 @p1 $0x2500;
	s8 =	simm.s32 @p1 $0x600  }
0x3e: {  	s0 =	simm.s32 @p1 $0x1200;
	s6 =	simm.s32 @p1 $0x500;
	s5 =	simm.s32 @p1 $0xF80  }
0x3f: {  	p1 =	seq.s32 s3, $0x4;
	s9 =	simm.s32 @p0 $0x2480;
	s8 =	simm.s32 @p0 $0x580  }
0x40: {  	s0 =	simm.s32 @p0 $0x1100;
	s6 =	simm.s32 @p0 $0x480;
	s5 =	simm.s32 @p0 $0xF00  }
0x41: {  	p0 =	seq.s32 s3, $0x3;
	s9 =	simm.s32 @p1 $0x2400;
	s8 =	simm.s32 @p1 $0x500  }
0x42: {  	s0 =	simm.s32 @p1 $0xB00;
	s6 =	simm.s32 @p1 $0x400;
	s5 =	simm.s32 @p1 $0x880  }
0x43: {  	s9 =	simm.s32 @p0 $0x1F80;
	s8 =	simm.s32 @p0 $0x480;
	s0 =	simm.s32 @p0 $0xA00  }
0x44: {  	s6 =	simm.s32 @p0 $0x380;
	s5 =	simm.s32 @p0 $0x800;
	p0 =	seq.s32 s3, $0x2  }
0x45: {  	s0 =	simm.s32 @p0 $0x900;
	s6 =	simm.s32 @p0 $0x300;
	s9 =	simm.s32 @p0 $0x1F00  }
0x46: {  	s8 =	simm.s32 @p0 $0x400;
	s5 =	simm.s32 @p0 $0x780;
	p0 =	seq.s32 s3, $0x1  }
0x47: {  	[dreg:$0x16] =	wrdreg s25;
	s13 =	simm.s32 $0xB080;
	s0 =	simm.s32 @p0 $0x200  }
0x48: {  	s6 =	simm.s32 @p0 $0x80;
	s9 =	simm.s32 @p0 $0x1E80;
	s8 =	simm.s32 @p0 $0x380  }
0x49: {  	s5 =	simm.s32 @p0 $0x80;
	p0 =	seq.s32 s3, $0x0;
	s3 =	sshll.u32 s3, $0x4  }
0x4a: {  	s0 =	simm.s32 @p0 $0x100;
	s6 =	simm.s32 @p0 $0x0;
	s9 =	simm.s32 @p0 $0x1E00  }
0x4b: {  	s8 =	simm.s32 @p0 $0x300;
	s5 =	simm.s32 @p0 $0x0;
	s3 =	sadd.s32 s11, s3  }
0x4c: {  	s11 =	simm.s32 $0x2;
	s16 =	sshrl.u32 s0, $0x3;
	s28 =	sshrl.u32 s6, $0x3  }
0x4d: {  	s19 =	sand.u32 $0x7, s9;
	s9 =	sshrl.u32 s9, $0x3;
	s20 =	sand.u32 $0x7, s6  }
0x4e: {  	s21 =	sshll.u32 s8, $0x6;
	s22 =	sshll.u32 s5, $0x6;
	[dreg:$0x11] =	wrdreg s3  }
0x4f: {  	s0 =	sshll.u32 s0, $0x6;
	s8 =	sadd.s32 $0x100, s2;
	s26 =	sadd.s32 s14, s16  }
0x50: {  	s18 =	sadd.s32 s14, s28;
	[dreg:$0xe] =	wrdreg s19;
	s9 =	sadd.s32 s14, s9  }
0x51: {  	s6 =	sadd.s32 s12, s21;
	s24 =	sadd.s32 s12, s22;
	s28 =	sadd.s32 $0x10, s25  }
0x52: {  	p0 =	seq.s32 s20, $0x0;
	s14 =	simm.s32 $0x6080;
	[dreg:$0xc] =	wrdreg s26  }
0x53: {  	s16 =	simm.s32 $0x7080;
	s19 =	simm.s32 $0x8880;
	[dreg:$0xd] =	wrdreg s18  }
0x54: {  	s20 =	simm.s32 $0x9080;
	s21 =	simm.s32 $0x9880;
	[dreg:$0xf] =	wrdreg s9  }
0x55: {  	s22 =	simm.s32 $0xA080;
	[dreg:$0x10] =	wrdreg s6;
	s6 =	sadd.s32 $0x100, s1  }
0x56: {  	[dreg:$0x12] =	wrdreg s24;
	s26 =	sadd.s32 s12, s0;
	s0 =	sand.u32 $0x1FFFC000, s0  }
0x57: {  	v2 =	vlaneseq.u32;
	[dreg:$0x14] =	wrdreg s28;
	s9 =	smax.u32 s7, $0x1;
	s0 =	sadd.s32 s0, s12  }
0x58: {  	vm0 =	vmmov $0xffff;
	v1 =	vshrl.u32 v2, $0x3;
	s7 =	simm.s32 $0x5880;
	[dreg:$0x13] =	wrdreg s26;
	s0 =	sadd.s32 $0x2000, s0  }
0x59: {  	v0 =	vand.u32 $0x7, v2;
	v2 =	vor.u32 $0x8, v2;
	v1 =	vmul.u32 $0x8, v1;
	s18 =	simm.s32 $0x8080;
	s12 =	simm.s32 $0x5080;
	[dreg:$0x15] =	wrdreg s0  }
.LBB2_1:
0x5a: {  	s24 =	rddreg [dreg:$0xb];
	s25 =	simm.s32 $0x10080  }
0x5b: {  	[tilespmem:s25], [sflag:$0x2] =	stream.linear.gather [hbm4b:s24+s4], $0x100, $0x38;
	[tilespmem:$0x10200] =	vst v63  }
0x5c: {  	_ =	swait.ge [sflag:s11], $0x100  }
0x5d: {  	[sflag:s11] =	ssyncset.done $0x0  }
0x5e: {  	s0 =	rddreg [dreg:$0xc];
	[sflag:s11] =	ssyncadd.s32 $0xFFFFFF00  }
0x5f: {  	[hbm4b:s0+s4] =	stream.linear.scatter [tilespmem:s25], [sflag:$0x2], $0x100, $0x38;
	[tilespmem:$0x10200] =	vst v63  }
0x60: {  	_ =	swait.ge [sflag:s11], $0x100  }
0x61: {  	[sflag:s11] =	ssyncset.done $0x0  }
0x62: {  	s26 =	simm.s32 $0x10180;
	s3 =	rddreg [dreg:$0xa];
	[sflag:s11] =	ssyncadd.s32 $0xFFFFFF00  }
0x63: {  	[tilespmem:s26], [sflag:$0x2] =	stream.linear.gather [hbm4b:s3+s4], $0x80, $0x38;
	[tilespmem:$0x10200] =	vst v63  }
0x64: {  	_ =	swait.ge [sflag:s11], $0x80  }
0x65: {  	s24 =	sld [smem:$0x7FF];
	_ =	sdelay $0x2  }
0x66: {  	p1 =	sne.s32 @!p0 s24, $0x1  }
0x67: {  	[sflag:s11] =	ssyncset.done $0x0;
	s0 =	rddreg [dreg:$0x17];
	p1 =	por !p1, p0  }
0x68: {  	[sflag:s11] =	ssyncadd.s32 $0xFFFFFF80;
	s24 =	sor.u32 @!p1 $0x100000, s0  }
0x69: {  	[smem:s24], [sflag:$0x0] =	smem.add.s32 @!p1 $0x136;
	s24 =	simm.s32 @!p1 $0x0  }
0x6a: {  	s25 =	simm.s32 @!p1 $0x1;
	_ =	swait.done @!p1 [sflag:s24]  }
0x6b: {  	[smem:$0x7FF] =	sst @!p1 s25  }
0x6c: {  	_ =	sint @!p1 $0x2  }
0x6d: {  	_ =	swait.notdone @!p1 [sflag:s24]  }
0x6e: {  	s24 =	rddreg [dreg:$0xd]  }
0x6f: {  	[hbm4b:s24+s4] =	stream.linear.scatter [tilespmem:s26], [sflag:$0x2], $0x80, $0x38;
	[tilespmem:$0x10200] =	vst v63  }
0x70: {  	s5 =	stileid.u32;
	_ =	swait.ge [sflag:s11], $0x80  }
0x71: {  	p1 =	sgt.u32 s5, $0xB;
	s24 =	rddreg [dreg:$0xe]  }
0x72: {  	s25 =	sld @!p1 [smem:$0x7FF]  }
0x73: {  	p2 =	seq.s32 @!p1 s24, $0x0  }
0x74: {  	p3 =	por p2, p1  }
0x75: {  	p3 =	sne.s32 @!p3 s25, $0x1  }
0x76: {  	p2 =	por @!p1 !p3, p2  }
0x77: {  	[sflag:s11] =	ssyncset.done $0x0;
	p2 =	por p2, p1  }
0x78: {  	[sflag:s11] =	ssyncadd.s32 $0xFFFFFF80;
	s24 =	sor.u32 @!p2 $0x100000, s0  }
0x79: {  	[smem:s24], [sflag:$0x0] =	smem.add.s32 @!p2 $0x19B;
	s24 =	simm.s32 @!p2 $0x0  }
0x7a: {  	s25 =	simm.s32 @!p2 $0x1;
	_ =	swait.done @!p2 [sflag:s24]  }
0x7b: {  	[smem:$0x7FF] =	sst @!p2 s25  }
0x7c: {  	_ =	sint @!p2 $0x2  }
0x7d: {  	_ =	swait.notdone @!p2 [sflag:s24]  }
0x7e: {  	s26 =	simm.s32 @!p1 $0x10180;
	s25 =	simm.s32 @!p1 $0x0;
	s24 =	rddreg [dreg:$0xf]  }
0x7f: {  	[hbm4b:s24+s25] =	stream.linear.scatter @!p1 [tilespmem:s26], [sflag:$0x2], $0x80, $0x38;
	[tilespmem:$0x10200] =	vst v63  }
0x80: {  	s24 =	simm.s32 @!p1 $0x2  }
0x81: {  	_ =	swait.ge @!p1 [sflag:s24], $0x80  }
0x82: {  	[sflag:s24] =	ssyncset.done @!p1 $0x0  }
0x83: {  	s28 =	simm.s32 @!p1 $0x80;
	s26 =	rddreg [dreg:$0x9];
	[sflag:s24] =	ssyncadd.s32 @!p1 $0xFFFFFF80  }
0x84: {  	[tilespmem:s28], [sflag:$0x2] =	stream.linear.gather @!p1 [hbm4b:s26+s25], $0x10000, $0x38;
	[tilespmem:$0x10200] =	vst v63  }
0x85: {  	_ =	swait.ge @!p1 [sflag:s24], $0x10000  }
0x86: {  	[sflag:s24] =	ssyncset.done @!p1 $0x0  }
0x87: {  	s26 =	rddreg [dreg:$0x10];
	[sflag:s24] =	ssyncadd.s32 @!p1 $0xFFFF0000  }
0x88: {  	[hbm4b:s26+s25] =	stream.linear.scatter @!p1 [tilespmem:s28], [sflag:$0x2], $0x10000, $0x38;
	[tilespmem:$0x10200] =	vst v63  }
0x89: {  	_ =	swait.ge @!p1 [sflag:s24], $0x10000  }
0x8a: {  	[sflag:s24] =	ssyncset.done @!p1 $0x0  }
0x8b: {  	s26 =	rddreg [dreg:$0x11];
	[sflag:s24] =	ssyncadd.s32 @!p1 $0xFFFF0000  }
0x8c: {  	[tilespmem:s4], [sflag:$0x2] =	stream.linear.gather [hbm4b:s26+s4], $0x80, $0x38;
	[tilespmem:$0x10200] =	vst v63  }
0x8d: {  	_ =	swait.ge [sflag:s11], $0x80  }
0x8e: {  	[sflag:s11] =	ssyncset.done $0x0  }
0x8f: {  	[sflag:s11] =	ssyncadd.s32 $0xFFFFFF80  }
0x90: {  	v3 =	vld [tilespmem:$0x0];
	_ =	sdelay $0x4  }
0x91: {  	v4 =	vshll.u32 v3, $0x2  }
0x92: {  	v3 =	vand.u32 $0x7, v3;
	v4 =	vand.u32 $0xFFFFFFE0, v4  }
0x93: {  	v3 =	vor.u32 v3, v4  }
0x94: {  	v4 =	vperm.xlane v3, v0;
	_ =	sdelay $0x1  }
0x95: {  	v4 =	vadd.s32 v1, v4;
	_ =	sdelay $0x1  }
0x96: {  	v3 =	vperm.xlane v3, v2;
	_ =	sdelay $0x1  }
0x97: {  	s0 =	simm.s32 $0x80;
	v3 =	vadd.s32 v1, v3  }
0x98: {  	[tilespmem:s0], [sflag:$0x1] =	stream.indirect_vreg.gather [hbm4b:s1+s4], $0x80, v4, vm0, $0xb8;
	[tilespmem:$0x10200] =	vst v63  }
0x99: {  	s25 =	simm.s32 $0x880  }
0x9a: {  	[tilespmem:s25], [sflag:$0x1] =	stream.indirect_vreg.gather [hbm4b:s6+s4], $0x80, v4, vm0, $0xb8;
	[tilespmem:$0x10200] =	vst v63  }
0x9b: {  	s26 =	simm.s32 $0x1080  }
0x9c: {  	[tilespmem:s26], [sflag:$0x1] =	stream.indirect_vreg.gather [hbm4b:s1+s4], $0x80, v3, vm0, $0xb8;
	[tilespmem:$0x10200] =	vst v63  }
0x9d: {  	s28 =	simm.s32 $0x1880  }
0x9e: {  	[tilespmem:s28], [sflag:$0x1] =	stream.indirect_vreg.gather [hbm4b:s6+s4], $0x80, v3, vm0, $0xb8;
	[tilespmem:$0x10200] =	vst v63  }
0x9f: {  	v3 =	vld [tilespmem:$0x10];
	_ =	sdelay $0x4  }
0xa0: {  	v41 =	vshll.u32 v3, $0x2  }
0xa1: {  	v3 =	vand.u32 $0x7, v3;
	v4 =	vand.u32 $0xFFFFFFE0, v41  }
0xa2: {  	v3 =	vor.u32 v3, v4  }
0xa3: {  	v4 =	vperm.xlane v3, v0;
	_ =	sdelay $0x1  }
0xa4: {  	v4 =	vadd.s32 v1, v4;
	_ =	sdelay $0x1  }
0xa5: {  	v3 =	vperm.xlane v3, v2;
	_ =	sdelay $0x1  }
0xa6: {  	v3 =	vadd.s32 v1, v3  }
0xa7: {  	[tilespmem:s29], [sflag:$0x1] =	stream.indirect_vreg.gather [hbm4b:s1+s4], $0x80, v4, vm0, $0xb8;
	[tilespmem:$0x10200] =	vst v63  }
0xa8: {  	_ = 	snop  }
0xa9: {  	[tilespmem:s30], [sflag:$0x1] =	stream.indirect_vreg.gather [hbm4b:s6+s4], $0x80, v4, vm0, $0xb8;
	[tilespmem:$0x10200] =	vst v63  }
0xaa: {  	_ = 	snop  }
0xab: {  	[tilespmem:s31], [sflag:$0x1] =	stream.indirect_vreg.gather [hbm4b:s1+s4], $0x80, v3, vm0, $0xb8;
	[tilespmem:$0x10200] =	vst v63  }
0xac: {  	s3 =	simm.s32 $0x3880  }
0xad: {  	[tilespmem:s3], [sflag:$0x1] =	stream.indirect_vreg.gather [hbm4b:s6+s4], $0x80, v3, vm0, $0xb8;
	[tilespmem:$0x10200] =	vst v63  }
0xae: {  	v3 =	vld [tilespmem:$0x20];
	_ =	sdelay $0x4  }
0xaf: {  	v42 =	vshll.u32 v3, $0x2  }
0xb0: {  	v3 =	vand.u32 $0x7, v3;
	v4 =	vand.u32 $0xFFFFFFE0, v42  }
0xb1: {  	v3 =	vor.u32 v3, v4  }
0xb2: {  	v4 =	vperm.xlane v3, v0;
	_ =	sdelay $0x1  }
0xb3: {  	v4 =	vadd.s32 v1, v4;
	_ =	sdelay $0x1  }
0xb4: {  	v3 =	vperm.xlane v3, v2;
	_ =	sdelay $0x1  }
0xb5: {  	s5 =	simm.s32 $0x4080;
	v3 =	vadd.s32 v1, v3  }
0xb6: {  	[tilespmem:s5], [sflag:$0x1] =	stream.indirect_vreg.gather [hbm4b:s1+s4], $0x80, v4, vm0, $0xb8;
	[tilespmem:$0x10200] =	vst v63  }
0xb7: {  	_ = 	snop  }
0xb8: {  	[tilespmem:s10], [sflag:$0x1] =	stream.indirect_vreg.gather [hbm4b:s6+s4], $0x80, v4, vm0, $0xb8;
	[tilespmem:$0x10200] =	vst v63  }
0xb9: {  	_ = 	snop  }
0xba: {  	[tilespmem:s12], [sflag:$0x1] =	stream.indirect_vreg.gather [hbm4b:s1+s4], $0x80, v3, vm0, $0xb8;
	[tilespmem:$0x10200] =	vst v63  }
0xbb: {  	_ = 	snop  }
0xbc: {  	[tilespmem:s7], [sflag:$0x1] =	stream.indirect_vreg.gather [hbm4b:s6+s4], $0x80, v3, vm0, $0xb8;
	[tilespmem:$0x10200] =	vst v63  }
0xbd: {  	v3 =	vld [tilespmem:$0x30];
	_ =	sdelay $0x4  }
0xbe: {  	v43 =	vshll.u32 v3, $0x2  }
0xbf: {  	v3 =	vand.u32 $0x7, v3;
	v4 =	vand.u32 $0xFFFFFFE0, v43  }
0xc0: {  	v3 =	vor.u32 v3, v4  }
0xc1: {  	v4 =	vperm.xlane v3, v0;
	_ =	sdelay $0x1  }
0xc2: {  	v4 =	vadd.s32 v1, v4;
	_ =	sdelay $0x1  }
0xc3: {  	v3 =	vperm.xlane v3, v2;
	_ =	sdelay $0x1  }
0xc4: {  	v3 =	vadd.s32 v1, v3  }
0xc5: {  	[tilespmem:s14], [sflag:$0x1] =	stream.indirect_vreg.gather [hbm4b:s1+s4], $0x80, v4, vm0, $0xb8;
	[tilespmem:$0x10200] =	vst v63  }
0xc6: {  	_ = 	snop  }
0xc7: {  	[tilespmem:s15], [sflag:$0x1] =	stream.indirect_vreg.gather [hbm4b:s6+s4], $0x80, v4, vm0, $0xb8;
	[tilespmem:$0x10200] =	vst v63  }
0xc8: {  	_ = 	snop  }
0xc9: {  	[tilespmem:s16], [sflag:$0x1] =	stream.indirect_vreg.gather [hbm4b:s1+s4], $0x80, v3, vm0, $0xb8;
	[tilespmem:$0x10200] =	vst v63  }
0xca: {  	_ = 	snop  }
0xcb: {  	[tilespmem:s17], [sflag:$0x1] =	stream.indirect_vreg.gather [hbm4b:s6+s4], $0x80, v3, vm0, $0xb8;
	[tilespmem:$0x10200] =	vst v63  }
0xcc: {  	v3 =	vld [tilespmem:$0x40];
	_ =	sdelay $0x4  }
0xcd: {  	v44 =	vshll.u32 v3, $0x2  }
0xce: {  	v3 =	vand.u32 $0x7, v3;
	v4 =	vand.u32 $0xFFFFFFE0, v44  }
0xcf: {  	v3 =	vor.u32 v3, v4  }
0xd0: {  	v4 =	vperm.xlane v3, v0;
	_ =	sdelay $0x1  }
0xd1: {  	v4 =	vadd.s32 v1, v4;
	_ =	sdelay $0x1  }
0xd2: {  	v3 =	vperm.xlane v3, v2;
	_ =	sdelay $0x1  }
0xd3: {  	v3 =	vadd.s32 v1, v3  }
0xd4: {  	[tilespmem:s18], [sflag:$0x1] =	stream.indirect_vreg.gather [hbm4b:s1+s4], $0x80, v4, vm0, $0xb8;
	[tilespmem:$0x10200] =	vst v63  }
0xd5: {  	_ = 	snop  }
0xd6: {  	[tilespmem:s19], [sflag:$0x1] =	stream.indirect_vreg.gather [hbm4b:s6+s4], $0x80, v4, vm0, $0xb8;
	[tilespmem:$0x10200] =	vst v63  }
0xd7: {  	_ = 	snop  }
0xd8: {  	[tilespmem:s20], [sflag:$0x1] =	stream.indirect_vreg.gather [hbm4b:s1+s4], $0x80, v3, vm0, $0xb8;
	[tilespmem:$0x10200] =	vst v63  }
0xd9: {  	_ = 	snop  }
0xda: {  	[tilespmem:s21], [sflag:$0x1] =	stream.indirect_vreg.gather [hbm4b:s6+s4], $0x80, v3, vm0, $0xb8;
	[tilespmem:$0x10200] =	vst v63  }
0xdb: {  	v3 =	vld [tilespmem:$0x50];
	_ =	sdelay $0x4  }
0xdc: {  	v45 =	vshll.u32 v3, $0x2  }
0xdd: {  	v3 =	vand.u32 $0x7, v3;
	v4 =	vand.u32 $0xFFFFFFE0, v45  }
0xde: {  	v3 =	vor.u32 v3, v4  }
0xdf: {  	v4 =	vperm.xlane v3, v0;
	_ =	sdelay $0x1  }
0xe0: {  	v4 =	vadd.s32 v1, v4;
	_ =	sdelay $0x1  }
0xe1: {  	v3 =	vperm.xlane v3, v2;
	_ =	sdelay $0x1  }
0xe2: {  	v3 =	vadd.s32 v1, v3  }
0xe3: {  	[tilespmem:s22], [sflag:$0x1] =	stream.indirect_vreg.gather [hbm4b:s1+s4], $0x80, v4, vm0, $0xb8;
	[tilespmem:$0x10200] =	vst v63  }
0xe4: {  	s5 =	simm.s32 $0xA880  }
0xe5: {  	[tilespmem:s5], [sflag:$0x1] =	stream.indirect_vreg.gather [hbm4b:s6+s4], $0x80, v4, vm0, $0xb8;
	[tilespmem:$0x10200] =	vst v63  }
0xe6: {  	_ = 	snop  }
0xe7: {  	[tilespmem:s13], [sflag:$0x1] =	stream.indirect_vreg.gather [hbm4b:s1+s4], $0x80, v3, vm0, $0xb8;
	[tilespmem:$0x10200] =	vst v63  }
0xe8: {  	s24 =	simm.s32 $0xB880  }
0xe9: {  	[tilespmem:s24], [sflag:$0x1] =	stream.indirect_vreg.gather [hbm4b:s6+s4], $0x80, v3, vm0, $0xb8;
	[tilespmem:$0x10200] =	vst v63  }
0xea: {  	v3 =	vld [tilespmem:$0x60];
	_ =	sdelay $0x4  }
0xeb: {  	v46 =	vshll.u32 v3, $0x2  }
0xec: {  	v3 =	vand.u32 $0x7, v3;
	v4 =	vand.u32 $0xFFFFFFE0, v46  }
0xed: {  	v3 =	vor.u32 v3, v4  }
0xee: {  	v4 =	vperm.xlane v3, v0;
	_ =	sdelay $0x1  }
0xef: {  	v4 =	vadd.s32 v1, v4;
	_ =	sdelay $0x1  }
0xf0: {  	v3 =	vperm.xlane v3, v2;
	_ =	sdelay $0x1  }
0xf1: {  	s24 =	simm.s32 $0xC080;
	v3 =	vadd.s32 v1, v3  }
0xf2: {  	[tilespmem:s24], [sflag:$0x1] =	stream.indirect_vreg.gather [hbm4b:s1+s4], $0x80, v4, vm0, $0xb8;
	[tilespmem:$0x10200] =	vst v63  }
0xf3: {  	s24 =	simm.s32 $0xC880  }
0xf4: {  	[tilespmem:s24], [sflag:$0x1] =	stream.indirect_vreg.gather [hbm4b:s6+s4], $0x80, v4, vm0, $0xb8;
	[tilespmem:$0x10200] =	vst v63  }
0xf5: {  	s24 =	simm.s32 $0xD080  }
0xf6: {  	[tilespmem:s24], [sflag:$0x1] =	stream.indirect_vreg.gather [hbm4b:s1+s4], $0x80, v3, vm0, $0xb8;
	[tilespmem:$0x10200] =	vst v63  }
0xf7: {  	s24 =	simm.s32 $0xD880  }
0xf8: {  	[tilespmem:s24], [sflag:$0x1] =	stream.indirect_vreg.gather [hbm4b:s6+s4], $0x80, v3, vm0, $0xb8;
	[tilespmem:$0x10200] =	vst v63  }
0xf9: {  	v3 =	vld [tilespmem:$0x70];
	_ =	sdelay $0x4  }
0xfa: {  	v47 =	vshll.u32 v3, $0x2  }
0xfb: {  	v3 =	vand.u32 $0x7, v3;
	v4 =	vand.u32 $0xFFFFFFE0, v47  }
0xfc: {  	v3 =	vor.u32 v3, v4  }
0xfd: {  	v4 =	vperm.xlane v3, v0;
	_ =	sdelay $0x1  }
0xfe: {  	v4 =	vadd.s32 v1, v4;
	_ =	sdelay $0x1  }
0xff: {  	v3 =	vperm.xlane v3, v2;
	_ =	sdelay $0x1  }
0x100: {  	s24 =	simm.s32 $0xE080;
	v3 =	vadd.s32 v1, v3  }
0x101: {  	[tilespmem:s24], [sflag:$0x1] =	stream.indirect_vreg.gather [hbm4b:s1+s4], $0x80, v4, vm0, $0xb8;
	[tilespmem:$0x10200] =	vst v63  }
0x102: {  	s24 =	simm.s32 $0xE880  }
0x103: {  	[tilespmem:s24], [sflag:$0x1] =	stream.indirect_vreg.gather [hbm4b:s6+s4], $0x80, v4, vm0, $0xb8;
	[tilespmem:$0x10200] =	vst v63  }
0x104: {  	s24 =	simm.s32 $0xF080  }
0x105: {  	[tilespmem:s24], [sflag:$0x1] =	stream.indirect_vreg.gather [hbm4b:s1+s4], $0x80, v3, vm0, $0xb8;
	[tilespmem:$0x10200] =	vst v63  }
0x106: {  	s24 =	simm.s32 $0xF880  }
0x107: {  	[tilespmem:s24], [sflag:$0x1] =	stream.indirect_vreg.gather [hbm4b:s6+s4], $0x80, v3, vm0, $0xb8;
	[tilespmem:$0x10200] =	vst v63  }
0x108: {  	_ =	swait.ge [sflag:s23], $0x10000  }
0x109: {  	[sflag:s23] =	ssyncset.done $0x0  }
0x10a: {  	s24 =	rddreg [dreg:$0x12];
	[sflag:s23] =	ssyncadd.s32 $0xFFFF0000  }
0x10b: {  	[hbm4b:s24+s4] =	stream.linear.scatter [tilespmem:s0], [sflag:$0x2], $0x10000, $0x38;
	[tilespmem:$0x10200] =	vst v63  }
0x10c: {  	_ =	swait.ge [sflag:s11], $0x10000  }
0x10d: {  	[sflag:s11] =	ssyncset.done $0x0  }
0x10e: {  	s24 =	rddreg [dreg:$0x16];
	[sflag:s11] =	ssyncadd.s32 $0xFFFF0000  }
0x10f: {  	[tilespmem:s4], [sflag:$0x2] =	stream.linear.gather [hbm4b:s24+s4], $0x80, $0x38;
	[tilespmem:$0x10200] =	vst v63  }
0x110: {  	_ =	swait.ge [sflag:s11], $0x80  }
0x111: {  	[sflag:s11] =	ssyncset.done $0x0  }
0x112: {  	[sflag:s11] =	ssyncadd.s32 $0xFFFFFF80  }
0x113: {  	v3 =	vld [tilespmem:$0x0];
	_ =	sdelay $0x4  }
0x114: {  	v48 =	vshll.u32 v3, $0x2  }
0x115: {  	v3 =	vand.u32 $0x7, v3;
	v4 =	vand.u32 $0xFFFFFFE0, v48  }
0x116: {  	v3 =	vor.u32 v3, v4  }
0x117: {  	v4 =	vperm.xlane v3, v0;
	_ =	sdelay $0x1  }
0x118: {  	v4 =	vadd.s32 v1, v4;
	_ =	sdelay $0x1  }
0x119: {  	v3 =	vperm.xlane v3, v2;
	_ =	sdelay $0x1  }
0x11a: {  	v3 =	vadd.s32 v1, v3  }
0x11b: {  	[tilespmem:s0], [sflag:$0x1] =	stream.indirect_vreg.gather [hbm4b:s2+s4], $0x80, v4, vm0, $0xb8;
	[tilespmem:$0x10200] =	vst v63  }
0x11c: {  	_ = 	snop  }
0x11d: {  	[tilespmem:s25], [sflag:$0x1] =	stream.indirect_vreg.gather [hbm4b:s8+s4], $0x80, v4, vm0, $0xb8;
	[tilespmem:$0x10200] =	vst v63  }
0x11e: {  	_ = 	snop  }
0x11f: {  	[tilespmem:s26], [sflag:$0x1] =	stream.indirect_vreg.gather [hbm4b:s2+s4], $0x80, v3, vm0, $0xb8;
	[tilespmem:$0x10200] =	vst v63  }
0x120: {  	_ = 	snop  }
0x121: {  	[tilespmem:s28], [sflag:$0x1] =	stream.indirect_vreg.gather [hbm4b:s8+s4], $0x80, v3, vm0, $0xb8;
	[tilespmem:$0x10200] =	vst v63  }
0x122: {  	v3 =	vld [tilespmem:$0x10];
	_ =	sdelay $0x4  }
0x123: {  	v49 =	vshll.u32 v3, $0x2  }
0x124: {  	v3 =	vand.u32 $0x7, v3;
	v4 =	vand.u32 $0xFFFFFFE0, v49  }
0x125: {  	v3 =	vor.u32 v3, v4  }
0x126: {  	v4 =	vperm.xlane v3, v0;
	_ =	sdelay $0x1  }
0x127: {  	v4 =	vadd.s32 v1, v4;
	_ =	sdelay $0x1  }
0x128: {  	v3 =	vperm.xlane v3, v2;
	_ =	sdelay $0x1  }
0x129: {  	v3 =	vadd.s32 v1, v3  }
0x12a: {  	[tilespmem:s29], [sflag:$0x1] =	stream.indirect_vreg.gather [hbm4b:s2+s4], $0x80, v4, vm0, $0xb8;
	[tilespmem:$0x10200] =	vst v63  }
0x12b: {  	_ = 	snop  }
0x12c: {  	[tilespmem:s30], [sflag:$0x1] =	stream.indirect_vreg.gather [hbm4b:s8+s4], $0x80, v4, vm0, $0xb8;
	[tilespmem:$0x10200] =	vst v63  }
0x12d: {  	_ = 	snop  }
0x12e: {  	[tilespmem:s31], [sflag:$0x1] =	stream.indirect_vreg.gather [hbm4b:s2+s4], $0x80, v3, vm0, $0xb8;
	[tilespmem:$0x10200] =	vst v63  }
0x12f: {  	_ = 	snop  }
0x130: {  	[tilespmem:s3], [sflag:$0x1] =	stream.indirect_vreg.gather [hbm4b:s8+s4], $0x80, v3, vm0, $0xb8;
	[tilespmem:$0x10200] =	vst v63  }
0x131: {  	v3 =	vld [tilespmem:$0x20];
	_ =	sdelay $0x4  }
0x132: {  	v50 =	vshll.u32 v3, $0x2  }
0x133: {  	v3 =	vand.u32 $0x7, v3;
	v4 =	vand.u32 $0xFFFFFFE0, v50  }
0x134: {  	v3 =	vor.u32 v3, v4  }
0x135: {  	v4 =	vperm.xlane v3, v0;
	_ =	sdelay $0x1  }
0x136: {  	v4 =	vadd.s32 v1, v4;
	_ =	sdelay $0x1  }
0x137: {  	v3 =	vperm.xlane v3, v2;
	_ =	sdelay $0x1  }
0x138: {  	s24 =	simm.s32 $0x4080;
	v3 =	vadd.s32 v1, v3  }
0x139: {  	[tilespmem:s24], [sflag:$0x1] =	stream.indirect_vreg.gather [hbm4b:s2+s4], $0x80, v4, vm0, $0xb8;
	[tilespmem:$0x10200] =	vst v63  }
0x13a: {  	_ = 	snop  }
0x13b: {  	[tilespmem:s10], [sflag:$0x1] =	stream.indirect_vreg.gather [hbm4b:s8+s4], $0x80, v4, vm0, $0xb8;
	[tilespmem:$0x10200] =	vst v63  }
0x13c: {  	_ = 	snop  }
0x13d: {  	[tilespmem:s12], [sflag:$0x1] =	stream.indirect_vreg.gather [hbm4b:s2+s4], $0x80, v3, vm0, $0xb8;
	[tilespmem:$0x10200] =	vst v63  }
0x13e: {  	_ = 	snop  }
0x13f: {  	[tilespmem:s7], [sflag:$0x1] =	stream.indirect_vreg.gather [hbm4b:s8+s4], $0x80, v3, vm0, $0xb8;
	[tilespmem:$0x10200] =	vst v63  }
0x140: {  	v3 =	vld [tilespmem:$0x30];
	_ =	sdelay $0x4  }
0x141: {  	v51 =	vshll.u32 v3, $0x2  }
0x142: {  	v3 =	vand.u32 $0x7, v3;
	v4 =	vand.u32 $0xFFFFFFE0, v51  }
0x143: {  	v3 =	vor.u32 v3, v4  }
0x144: {  	v4 =	vperm.xlane v3, v0;
	_ =	sdelay $0x1  }
0x145: {  	v4 =	vadd.s32 v1, v4;
	_ =	sdelay $0x1  }
0x146: {  	v3 =	vperm.xlane v3, v2;
	_ =	sdelay $0x1  }
0x147: {  	v3 =	vadd.s32 v1, v3  }
0x148: {  	[tilespmem:s14], [sflag:$0x1] =	stream.indirect_vreg.gather [hbm4b:s2+s4], $0x80, v4, vm0, $0xb8;
	[tilespmem:$0x10200] =	vst v63  }
0x149: {  	_ = 	snop  }
0x14a: {  	[tilespmem:s15], [sflag:$0x1] =	stream.indirect_vreg.gather [hbm4b:s8+s4], $0x80, v4, vm0, $0xb8;
	[tilespmem:$0x10200] =	vst v63  }
0x14b: {  	_ = 	snop  }
0x14c: {  	[tilespmem:s16], [sflag:$0x1] =	stream.indirect_vreg.gather [hbm4b:s2+s4], $0x80, v3, vm0, $0xb8;
	[tilespmem:$0x10200] =	vst v63  }
0x14d: {  	_ = 	snop  }
0x14e: {  	[tilespmem:s17], [sflag:$0x1] =	stream.indirect_vreg.gather [hbm4b:s8+s4], $0x80, v3, vm0, $0xb8;
	[tilespmem:$0x10200] =	vst v63  }
0x14f: {  	v3 =	vld [tilespmem:$0x40];
	_ =	sdelay $0x4  }
0x150: {  	v52 =	vshll.u32 v3, $0x2  }
0x151: {  	v3 =	vand.u32 $0x7, v3;
	v4 =	vand.u32 $0xFFFFFFE0, v52  }
0x152: {  	v3 =	vor.u32 v3, v4  }
0x153: {  	v4 =	vperm.xlane v3, v0;
	_ =	sdelay $0x1  }
0x154: {  	v4 =	vadd.s32 v1, v4;
	_ =	sdelay $0x1  }
0x155: {  	v3 =	vperm.xlane v3, v2;
	_ =	sdelay $0x1  }
0x156: {  	v3 =	vadd.s32 v1, v3  }
0x157: {  	[tilespmem:s18], [sflag:$0x1] =	stream.indirect_vreg.gather [hbm4b:s2+s4], $0x80, v4, vm0, $0xb8;
	[tilespmem:$0x10200] =	vst v63  }
0x158: {  	_ = 	snop  }
0x159: {  	[tilespmem:s19], [sflag:$0x1] =	stream.indirect_vreg.gather [hbm4b:s8+s4], $0x80, v4, vm0, $0xb8;
	[tilespmem:$0x10200] =	vst v63  }
0x15a: {  	_ = 	snop  }
0x15b: {  	[tilespmem:s20], [sflag:$0x1] =	stream.indirect_vreg.gather [hbm4b:s2+s4], $0x80, v3, vm0, $0xb8;
	[tilespmem:$0x10200] =	vst v63  }
0x15c: {  	_ = 	snop  }
0x15d: {  	[tilespmem:s21], [sflag:$0x1] =	stream.indirect_vreg.gather [hbm4b:s8+s4], $0x80, v3, vm0, $0xb8;
	[tilespmem:$0x10200] =	vst v63  }
0x15e: {  	v3 =	vld [tilespmem:$0x50];
	_ =	sdelay $0x4  }
0x15f: {  	v53 =	vshll.u32 v3, $0x2  }
0x160: {  	v3 =	vand.u32 $0x7, v3;
	v4 =	vand.u32 $0xFFFFFFE0, v53  }
0x161: {  	v3 =	vor.u32 v3, v4  }
0x162: {  	v4 =	vperm.xlane v3, v0;
	_ =	sdelay $0x1  }
0x163: {  	v4 =	vadd.s32 v1, v4;
	_ =	sdelay $0x1  }
0x164: {  	v3 =	vperm.xlane v3, v2;
	_ =	sdelay $0x1  }
0x165: {  	v3 =	vadd.s32 v1, v3  }
0x166: {  	[tilespmem:s22], [sflag:$0x1] =	stream.indirect_vreg.gather [hbm4b:s2+s4], $0x80, v4, vm0, $0xb8;
	[tilespmem:$0x10200] =	vst v63  }
0x167: {  	_ = 	snop  }
0x168: {  	[tilespmem:s5], [sflag:$0x1] =	stream.indirect_vreg.gather [hbm4b:s8+s4], $0x80, v4, vm0, $0xb8;
	[tilespmem:$0x10200] =	vst v63  }
0x169: {  	_ = 	snop  }
0x16a: {  	[tilespmem:s13], [sflag:$0x1] =	stream.indirect_vreg.gather [hbm4b:s2+s4], $0x80, v3, vm0, $0xb8;
	[tilespmem:$0x10200] =	vst v63  }
0x16b: {  	s24 =	simm.s32 $0xB880  }
0x16c: {  	[tilespmem:s24], [sflag:$0x1] =	stream.indirect_vreg.gather [hbm4b:s8+s4], $0x80, v3, vm0, $0xb8;
	[tilespmem:$0x10200] =	vst v63  }
0x16d: {  	v3 =	vld [tilespmem:$0x60];
	_ =	sdelay $0x4  }
0x16e: {  	v54 =	vshll.u32 v3, $0x2  }
0x16f: {  	v3 =	vand.u32 $0x7, v3;
	v4 =	vand.u32 $0xFFFFFFE0, v54  }
0x170: {  	v3 =	vor.u32 v3, v4  }
0x171: {  	v4 =	vperm.xlane v3, v0;
	_ =	sdelay $0x1  }
0x172: {  	v4 =	vadd.s32 v1, v4;
	_ =	sdelay $0x1  }
0x173: {  	v3 =	vperm.xlane v3, v2;
	_ =	sdelay $0x1  }
0x174: {  	s24 =	simm.s32 $0xC080;
	v3 =	vadd.s32 v1, v3  }
0x175: {  	[tilespmem:s24], [sflag:$0x1] =	stream.indirect_vreg.gather [hbm4b:s2+s4], $0x80, v4, vm0, $0xb8;
	[tilespmem:$0x10200] =	vst v63  }
0x176: {  	s24 =	simm.s32 $0xC880  }
0x177: {  	[tilespmem:s24], [sflag:$0x1] =	stream.indirect_vreg.gather [hbm4b:s8+s4], $0x80, v4, vm0, $0xb8;
	[tilespmem:$0x10200] =	vst v63  }
0x178: {  	s24 =	simm.s32 $0xD080  }
0x179: {  	[tilespmem:s24], [sflag:$0x1] =	stream.indirect_vreg.gather [hbm4b:s2+s4], $0x80, v3, vm0, $0xb8;
	[tilespmem:$0x10200] =	vst v63  }
0x17a: {  	s24 =	simm.s32 $0xD880  }
0x17b: {  	[tilespmem:s24], [sflag:$0x1] =	stream.indirect_vreg.gather [hbm4b:s8+s4], $0x80, v3, vm0, $0xb8;
	[tilespmem:$0x10200] =	vst v63  }
0x17c: {  	v3 =	vld [tilespmem:$0x70];
	_ =	sdelay $0x4  }
0x17d: {  	v55 =	vshll.u32 v3, $0x2  }
0x17e: {  	v3 =	vand.u32 $0x7, v3;
	v4 =	vand.u32 $0xFFFFFFE0, v55  }
0x17f: {  	v3 =	vor.u32 v3, v4  }
0x180: {  	v4 =	vperm.xlane v3, v0;
	_ =	sdelay $0x1  }
0x181: {  	v4 =	vadd.s32 v1, v4;
	_ =	sdelay $0x1  }
0x182: {  	v3 =	vperm.xlane v3, v2;
	_ =	sdelay $0x1  }
0x183: {  	s24 =	simm.s32 $0xE080;
	v3 =	vadd.s32 v1, v3  }
0x184: {  	[tilespmem:s24], [sflag:$0x1] =	stream.indirect_vreg.gather [hbm4b:s2+s4], $0x80, v4, vm0, $0xb8;
	[tilespmem:$0x10200] =	vst v63  }
0x185: {  	s24 =	simm.s32 $0xE880  }
0x186: {  	[tilespmem:s24], [sflag:$0x1] =	stream.indirect_vreg.gather [hbm4b:s8+s4], $0x80, v4, vm0, $0xb8;
	[tilespmem:$0x10200] =	vst v63  }
0x187: {  	s24 =	simm.s32 $0xF080  }
0x188: {  	[tilespmem:s24], [sflag:$0x1] =	stream.indirect_vreg.gather [hbm4b:s2+s4], $0x80, v3, vm0, $0xb8;
	[tilespmem:$0x10200] =	vst v63  }
0x189: {  	s24 =	simm.s32 $0xF880  }
0x18a: {  	[tilespmem:s24], [sflag:$0x1] =	stream.indirect_vreg.gather [hbm4b:s8+s4], $0x80, v3, vm0, $0xb8;
	[tilespmem:$0x10200] =	vst v63  }
0x18b: {  	_ =	swait.ge [sflag:s23], $0x10000  }
0x18c: {  	[sflag:s23] =	ssyncset.done $0x0  }
0x18d: {  	s24 =	rddreg [dreg:$0x13];
	[sflag:s23] =	ssyncadd.s32 $0xFFFF0000  }
0x18e: {  	[hbm4b:s24+s4] =	stream.linear.scatter [tilespmem:s0], [sflag:$0x2], $0x10000, $0x38;
	[tilespmem:$0x10200] =	vst v63  }
0x18f: {  	_ =	swait.ge [sflag:s11], $0x10000  }
0x190: {  	[sflag:s11] =	ssyncset.done $0x0  }
0x191: {  	s24 =	rddreg [dreg:$0x14];
	[sflag:s11] =	ssyncadd.s32 $0xFFFF0000  }
0x192: {  	[tilespmem:s4], [sflag:$0x2] =	stream.linear.gather [hbm4b:s24+s4], $0x80, $0x38;
	[tilespmem:$0x10200] =	vst v63  }
0x193: {  	_ =	swait.ge [sflag:s11], $0x80  }
0x194: {  	[sflag:s11] =	ssyncset.done $0x0  }
0x195: {  	[sflag:s11] =	ssyncadd.s32 $0xFFFFFF80  }
0x196: {  	v3 =	vld [tilespmem:$0x0];
	_ =	sdelay $0x4  }
0x197: {  	v56 =	vshll.u32 v3, $0x2  }
0x198: {  	v3 =	vand.u32 $0x7, v3;
	v4 =	vand.u32 $0xFFFFFFE0, v56  }
0x199: {  	v3 =	vor.u32 v3, v4  }
0x19a: {  	v4 =	vperm.xlane v3, v0;
	_ =	sdelay $0x1  }
0x19b: {  	v4 =	vadd.s32 v1, v4;
	_ =	sdelay $0x1  }
0x19c: {  	v3 =	vperm.xlane v3, v2;
	_ =	sdelay $0x1  }
0x19d: {  	v3 =	vadd.s32 v1, v3  }
0x19e: {  	[tilespmem:s0], [sflag:$0x1] =	stream.indirect_vreg.gather [hbm4b:s2+s4], $0x80, v4, vm0, $0xb8;
	[tilespmem:$0x10200] =	vst v63  }
0x19f: {  	_ = 	snop  }
0x1a0: {  	[tilespmem:s25], [sflag:$0x1] =	stream.indirect_vreg.gather [hbm4b:s8+s4], $0x80, v4, vm0, $0xb8;
	[tilespmem:$0x10200] =	vst v63  }
0x1a1: {  	_ = 	snop  }
0x1a2: {  	[tilespmem:s26], [sflag:$0x1] =	stream.indirect_vreg.gather [hbm4b:s2+s4], $0x80, v3, vm0, $0xb8;
	[tilespmem:$0x10200] =	vst v63  }
0x1a3: {  	_ = 	snop  }
0x1a4: {  	[tilespmem:s28], [sflag:$0x1] =	stream.indirect_vreg.gather [hbm4b:s8+s4], $0x80, v3, vm0, $0xb8;
	[tilespmem:$0x10200] =	vst v63  }
0x1a5: {  	v3 =	vld [tilespmem:$0x10];
	_ =	sdelay $0x4  }
0x1a6: {  	v57 =	vshll.u32 v3, $0x2  }
0x1a7: {  	v3 =	vand.u32 $0x7, v3;
	v4 =	vand.u32 $0xFFFFFFE0, v57  }
0x1a8: {  	v3 =	vor.u32 v3, v4  }
0x1a9: {  	v4 =	vperm.xlane v3, v0;
	_ =	sdelay $0x1  }
0x1aa: {  	v4 =	vadd.s32 v1, v4;
	_ =	sdelay $0x1  }
0x1ab: {  	v3 =	vperm.xlane v3, v2;
	_ =	sdelay $0x1  }
0x1ac: {  	v3 =	vadd.s32 v1, v3  }
0x1ad: {  	[tilespmem:s29], [sflag:$0x1] =	stream.indirect_vreg.gather [hbm4b:s2+s4], $0x80, v4, vm0, $0xb8;
	[tilespmem:$0x10200] =	vst v63  }
0x1ae: {  	_ = 	snop  }
0x1af: {  	[tilespmem:s30], [sflag:$0x1] =	stream.indirect_vreg.gather [hbm4b:s8+s4], $0x80, v4, vm0, $0xb8;
	[tilespmem:$0x10200] =	vst v63  }
0x1b0: {  	_ = 	snop  }
0x1b1: {  	[tilespmem:s31], [sflag:$0x1] =	stream.indirect_vreg.gather [hbm4b:s2+s4], $0x80, v3, vm0, $0xb8;
	[tilespmem:$0x10200] =	vst v63  }
0x1b2: {  	_ = 	snop  }
0x1b3: {  	[tilespmem:s3], [sflag:$0x1] =	stream.indirect_vreg.gather [hbm4b:s8+s4], $0x80, v3, vm0, $0xb8;
	[tilespmem:$0x10200] =	vst v63  }
0x1b4: {  	v3 =	vld [tilespmem:$0x20];
	_ =	sdelay $0x4  }
0x1b5: {  	v58 =	vshll.u32 v3, $0x2  }
0x1b6: {  	v3 =	vand.u32 $0x7, v3;
	v4 =	vand.u32 $0xFFFFFFE0, v58  }
0x1b7: {  	v3 =	vor.u32 v3, v4  }
0x1b8: {  	v4 =	vperm.xlane v3, v0;
	_ =	sdelay $0x1  }
0x1b9: {  	v4 =	vadd.s32 v1, v4;
	_ =	sdelay $0x1  }
0x1ba: {  	v3 =	vperm.xlane v3, v2;
	_ =	sdelay $0x1  }
0x1bb: {  	s28 =	simm.s32 $0x4080;
	v3 =	vadd.s32 v1, v3  }
0x1bc: {  	[tilespmem:s28], [sflag:$0x1] =	stream.indirect_vreg.gather [hbm4b:s2+s4], $0x80, v4, vm0, $0xb8;
	[tilespmem:$0x10200] =	vst v63  }
0x1bd: {  	_ = 	snop  }
0x1be: {  	[tilespmem:s10], [sflag:$0x1] =	stream.indirect_vreg.gather [hbm4b:s8+s4], $0x80, v4, vm0, $0xb8;
	[tilespmem:$0x10200] =	vst v63  }
0x1bf: {  	_ = 	snop  }
0x1c0: {  	[tilespmem:s12], [sflag:$0x1] =	stream.indirect_vreg.gather [hbm4b:s2+s4], $0x80, v3, vm0, $0xb8;
	[tilespmem:$0x10200] =	vst v63  }
0x1c1: {  	_ = 	snop  }
0x1c2: {  	[tilespmem:s7], [sflag:$0x1] =	stream.indirect_vreg.gather [hbm4b:s8+s4], $0x80, v3, vm0, $0xb8;
	[tilespmem:$0x10200] =	vst v63  }
0x1c3: {  	v3 =	vld [tilespmem:$0x30];
	_ =	sdelay $0x4  }
0x1c4: {  	v59 =	vshll.u32 v3, $0x2  }
0x1c5: {  	v3 =	vand.u32 $0x7, v3;
	v4 =	vand.u32 $0xFFFFFFE0, v59  }
0x1c6: {  	v3 =	vor.u32 v3, v4  }
0x1c7: {  	v4 =	vperm.xlane v3, v0;
	_ =	sdelay $0x1  }
0x1c8: {  	v4 =	vadd.s32 v1, v4;
	_ =	sdelay $0x1  }
0x1c9: {  	v3 =	vperm.xlane v3, v2;
	_ =	sdelay $0x1  }
0x1ca: {  	v3 =	vadd.s32 v1, v3  }
0x1cb: {  	[tilespmem:s14], [sflag:$0x1] =	stream.indirect_vreg.gather [hbm4b:s2+s4], $0x80, v4, vm0, $0xb8;
	[tilespmem:$0x10200] =	vst v63  }
0x1cc: {  	_ = 	snop  }
0x1cd: {  	[tilespmem:s15], [sflag:$0x1] =	stream.indirect_vreg.gather [hbm4b:s8+s4], $0x80, v4, vm0, $0xb8;
	[tilespmem:$0x10200] =	vst v63  }
0x1ce: {  	_ = 	snop  }
0x1cf: {  	[tilespmem:s16], [sflag:$0x1] =	stream.indirect_vreg.gather [hbm4b:s2+s4], $0x80, v3, vm0, $0xb8;
	[tilespmem:$0x10200] =	vst v63  }
0x1d0: {  	_ = 	snop  }
0x1d1: {  	[tilespmem:s17], [sflag:$0x1] =	stream.indirect_vreg.gather [hbm4b:s8+s4], $0x80, v3, vm0, $0xb8;
	[tilespmem:$0x10200] =	vst v63  }
0x1d2: {  	v3 =	vld [tilespmem:$0x40];
	_ =	sdelay $0x4  }
0x1d3: {  	v60 =	vshll.u32 v3, $0x2  }
0x1d4: {  	v3 =	vand.u32 $0x7, v3;
	v4 =	vand.u32 $0xFFFFFFE0, v60  }
0x1d5: {  	v3 =	vor.u32 v3, v4  }
0x1d6: {  	v4 =	vperm.xlane v3, v0;
	_ =	sdelay $0x1  }
0x1d7: {  	v4 =	vadd.s32 v1, v4;
	_ =	sdelay $0x1  }
0x1d8: {  	v3 =	vperm.xlane v3, v2;
	_ =	sdelay $0x1  }
0x1d9: {  	v3 =	vadd.s32 v1, v3  }
0x1da: {  	[tilespmem:s18], [sflag:$0x1] =	stream.indirect_vreg.gather [hbm4b:s2+s4], $0x80, v4, vm0, $0xb8;
	[tilespmem:$0x10200] =	vst v63  }
0x1db: {  	_ = 	snop  }
0x1dc: {  	[tilespmem:s19], [sflag:$0x1] =	stream.indirect_vreg.gather [hbm4b:s8+s4], $0x80, v4, vm0, $0xb8;
	[tilespmem:$0x10200] =	vst v63  }
0x1dd: {  	_ = 	snop  }
0x1de: {  	[tilespmem:s20], [sflag:$0x1] =	stream.indirect_vreg.gather [hbm4b:s2+s4], $0x80, v3, vm0, $0xb8;
	[tilespmem:$0x10200] =	vst v63  }
0x1df: {  	_ = 	snop  }
0x1e0: {  	[tilespmem:s21], [sflag:$0x1] =	stream.indirect_vreg.gather [hbm4b:s8+s4], $0x80, v3, vm0, $0xb8;
	[tilespmem:$0x10200] =	vst v63  }
0x1e1: {  	v3 =	vld [tilespmem:$0x50];
	_ =	sdelay $0x4  }
0x1e2: {  	v61 =	vshll.u32 v3, $0x2  }
0x1e3: {  	v3 =	vand.u32 $0x7, v3;
	v4 =	vand.u32 $0xFFFFFFE0, v61  }
0x1e4: {  	v3 =	vor.u32 v3, v4  }
0x1e5: {  	v4 =	vperm.xlane v3, v0;
	_ =	sdelay $0x1  }
0x1e6: {  	v4 =	vadd.s32 v1, v4;
	_ =	sdelay $0x1  }
0x1e7: {  	v3 =	vperm.xlane v3, v2;
	_ =	sdelay $0x1  }
0x1e8: {  	v3 =	vadd.s32 v1, v3  }
0x1e9: {  	[tilespmem:s22], [sflag:$0x1] =	stream.indirect_vreg.gather [hbm4b:s2+s4], $0x80, v4, vm0, $0xb8;
	[tilespmem:$0x10200] =	vst v63  }
0x1ea: {  	_ = 	snop  }
0x1eb: {  	[tilespmem:s5], [sflag:$0x1] =	stream.indirect_vreg.gather [hbm4b:s8+s4], $0x80, v4, vm0, $0xb8;
	[tilespmem:$0x10200] =	vst v63  }
0x1ec: {  	_ = 	snop  }
0x1ed: {  	[tilespmem:s13], [sflag:$0x1] =	stream.indirect_vreg.gather [hbm4b:s2+s4], $0x80, v3, vm0, $0xb8;
	[tilespmem:$0x10200] =	vst v63  }
0x1ee: {  	s5 =	simm.s32 $0xB880  }
0x1ef: {  	[tilespmem:s5], [sflag:$0x1] =	stream.indirect_vreg.gather [hbm4b:s8+s4], $0x80, v3, vm0, $0xb8;
	[tilespmem:$0x10200] =	vst v63  }
0x1f0: {  	v3 =	vld [tilespmem:$0x60];
	_ =	sdelay $0x4  }
0x1f1: {  	v62 =	vshll.u32 v3, $0x2  }
0x1f2: {  	v3 =	vand.u32 $0x7, v3;
	v4 =	vand.u32 $0xFFFFFFE0, v62  }
0x1f3: {  	v3 =	vor.u32 v3, v4  }
0x1f4: {  	v4 =	vperm.xlane v3, v0;
	_ =	sdelay $0x1  }
0x1f5: {  	v4 =	vadd.s32 v1, v4;
	_ =	sdelay $0x1  }
0x1f6: {  	v3 =	vperm.xlane v3, v2;
	_ =	sdelay $0x1  }
0x1f7: {  	s24 =	simm.s32 $0xC080;
	v3 =	vadd.s32 v1, v3  }
0x1f8: {  	[tilespmem:s24], [sflag:$0x1] =	stream.indirect_vreg.gather [hbm4b:s2+s4], $0x80, v4, vm0, $0xb8;
	[tilespmem:$0x10200] =	vst v63  }
0x1f9: {  	s25 =	simm.s32 $0xC880  }
0x1fa: {  	[tilespmem:s25], [sflag:$0x1] =	stream.indirect_vreg.gather [hbm4b:s8+s4], $0x80, v4, vm0, $0xb8;
	[tilespmem:$0x10200] =	vst v63  }
0x1fb: {  	s26 =	simm.s32 $0xD080  }
0x1fc: {  	[tilespmem:s26], [sflag:$0x1] =	stream.indirect_vreg.gather [hbm4b:s2+s4], $0x80, v3, vm0, $0xb8;
	[tilespmem:$0x10200] =	vst v63  }
0x1fd: {  	s28 =	simm.s32 $0xD880  }
0x1fe: {  	[tilespmem:s28], [sflag:$0x1] =	stream.indirect_vreg.gather [hbm4b:s8+s4], $0x80, v3, vm0, $0xb8;
	[tilespmem:$0x10200] =	vst v63  }
0x1ff: {  	v3 =	vld [tilespmem:$0x70];
	_ =	sdelay $0x4  }
0x200: {  	v63 =	vshll.u32 v3, $0x2  }
0x201: {  	v3 =	vand.u32 $0x7, v3;
	v4 =	vand.u32 $0xFFFFFFE0, v63  }
0x202: {  	v3 =	vor.u32 v3, v4  }
0x203: {  	v4 =	vperm.xlane v3, v0;
	_ =	sdelay $0x1  }
0x204: {  	v4 =	vadd.s32 v1, v4;
	_ =	sdelay $0x1  }
0x205: {  	v3 =	vperm.xlane v3, v2;
	_ =	sdelay $0x1  }
0x206: {  	s5 =	simm.s32 $0xE080;
	v3 =	vadd.s32 v1, v3  }
0x207: {  	[tilespmem:s5], [sflag:$0x1] =	stream.indirect_vreg.gather [hbm4b:s2+s4], $0x80, v4, vm0, $0xb8;
	[tilespmem:$0x10200] =	vst v63  }
0x208: {  	s24 =	simm.s32 $0xE880  }
0x209: {  	[tilespmem:s24], [sflag:$0x1] =	stream.indirect_vreg.gather [hbm4b:s8+s4], $0x80, v4, vm0, $0xb8;
	[tilespmem:$0x10200] =	vst v63  }
0x20a: {  	s25 =	simm.s32 $0xF080  }
0x20b: {  	[tilespmem:s25], [sflag:$0x1] =	stream.indirect_vreg.gather [hbm4b:s2+s4], $0x80, v3, vm0, $0xb8;
	[tilespmem:$0x10200] =	vst v63  }
0x20c: {  	s26 =	simm.s32 $0xF880  }
0x20d: {  	[tilespmem:s26], [sflag:$0x1] =	stream.indirect_vreg.gather [hbm4b:s8+s4], $0x80, v3, vm0, $0xb8;
	[tilespmem:$0x10200] =	vst v63  }
0x20e: {  	s9 =	sadd.s32 $0xFFFFFFFF, s9;
	_ =	swait.ge [sflag:s23], $0x10000  }
0x20f: {  	p1 =	sne.s32 s9, $0x0;
	[sflag:s23] =	ssyncset.done $0x0  }
.Ltmp0:
0x210: {  	s28 =	rddreg [dreg:$0x15];
	[sflag:s23] =	ssyncadd.s32 $0xFFFF0000;
	(pc) =	sbr.rel @p1 .LBB2_1-.Ltmp0, $4  }
0x211: {  	[hbm4b:s28+s4] =	stream.linear.scatter [tilespmem:s0], [sflag:$0x2], $0x10000, $0x38;
	[tilespmem:$0x10200] =	vst v63  }
0x212: {  	_ =	swait.ge [sflag:s11], $0x10000  }
0x213: {  	[sflag:s11] =	ssyncset.done $0x0  }
0x214: {  	[sflag:s11] =	ssyncadd.s32 $0xFFFF0000  }
0x215: {  	_ =	sfence.sel $0x180000  }
0x216: {  	[bflag:$0x0] =	sbarrier.arrive $0xFFFF  }
0x217: {  	_ =	strace $0x90000047  }
0x218: {  	s0 =	stileid.u32;
	[bflag:$0x2] =	sbarrier.arrive $0xFFFF  }
0x219: {  	p0 =	sne.s32 s0, $0x0;
	s0 =	rddreg [dreg:$0x8]  }
0x21a: {  	s0 =	sadd.s32 @!p0 $0x100000, s0  }
0x21b: {  	[sflag:s0] =	ssyncadd.tile.s32 @!p0 $0x1;
	_ =	shalt  }
.Lfunc_end2:
_tile_overlayer_lowered:
.L_overlay_start_2:
0x21c: {  	(tag) =	ssettag $0x2  }
0x21d: {  	s0 =	rddreg [dreg:$0x0];
	s2 =	stileid.u32  }
0x21e: {  	s1 =	rddreg [dreg:$0x1];
	p0 =	sne.s32 s2, $0x0  }
0x21f: {  	s3 =	rddreg [dreg:$0x2];
	[bflag:$0x3] =	sbarrier.arrive $0xFFFF;
	s2 =	simm.s32 @!p0 $0x1C02  }
0x220: {  	[timem:s3], [sflag:s2] =	dma.local @!p0 [hbm:s0], s1  }
0x221: {  	s0 =	simm.s32 @!p0 $0x2  }
0x222: {  	_ =	swait.ge @!p0 [sflag:s0], s1  }
0x223: {  	s1 =	ssub.s32 @!p0 $0x0, s1;
	[sflag:s0] =	ssyncset.done @!p0 $0x0  }
0x224: {  	[sflag:s0] =	ssyncadd.s32 @!p0 s1  }
0x225: {  	[bflag:$0x3] =	sbarrier.arrive $0xFFFF  }
0x226: {  	_ =	shalt  }

</sc_bundles>
